<compile_context>
chip_gen: v7x
topology: tpu7x:2x2x1
jax: 0.10.2.dev20260603
libtpu: 0.0.44.dev20260713+nightly
codegen_flags: <defaults>
</compile_context>

<pallas_src>
import functools

import jax
import jax.numpy as jnp
from jax import lax
from jax.experimental import pallas as pl
from jax.experimental.pallas import tpu as pltpu
from jax.experimental.pallas import tpu_sc as plsc

N_CUR = 50
N_HIST = 200
D = 10000
L = 16
NC = 2
NS = 16
NW = NC * NS
W_PAD = 208
HALF = 104
N_CHUNKS = W_PAD // L
ROWS_PER_TILE = (N_CUR + NW - 1) // NW


SLAB = 8
RPS = 8
N_STEP = (N_CUR + RPS - 1) // RPS
CUR_TC = N_STEP * RPS
D_PAD = 10112


def _row_gather_body(cur_ref, *refs):
    slabs, rows_ref = refs[:RPS], refs[RPS]
    g = pl.program_id(0)
    for j in range(RPS):
        r = cur_ref[jnp.minimum(g * RPS + j, N_CUR - 1)] % SLAB
        rows_ref[pl.ds(j * D_PAD, D)] = slabs[j][pl.ds(r, 1), :][0]


def _slab_spec(j):
    return pl.BlockSpec(
        (SLAB, D),
        lambda g, cur, j=j: (cur[jnp.minimum(g * RPS + j, N_CUR - 1)] // SLAB, 0),
    )


_gather_rows_tc = pl.pallas_call(
    _row_gather_body,
    grid_spec=pltpu.PrefetchScalarGridSpec(
        num_scalar_prefetch=1,
        grid=(N_STEP,),
        in_specs=[_slab_spec(j) for j in range(RPS)],
        out_specs=pl.BlockSpec((RPS * D_PAD,), lambda g, cur: (g,)),
    ),
    out_shape=jax.ShapeDtypeStruct((CUR_TC * D_PAD,), jnp.float32),
)


def _lane_reduce(v, op):
    vals = [v[k] for k in range(L)]
    while len(vals) > 1:
        vals = [op(vals[k], vals[k + 1]) for k in range(0, len(vals), 2)]
    return vals[0]


def _issue_row(i, slot, hist_v, idx_v, vals_v, sem, rows_hbm):
    base = i * D_PAD
    off = slot * W_PAD
    lanes = lax.broadcasted_iota(jnp.int32, (L,), 0)
    tail_mask = lanes < (N_HIST - (N_CHUNKS - 1) * L)
    for c in range(N_CHUNKS):
        idx = hist_v[pl.ds(c * L, L)] + base
        if c == N_CHUNKS - 1:
            idx = jnp.where(tail_mask, idx, base)
        idx_v[pl.ds(off + c * L, L)] = idx
    cp0 = pltpu.async_copy(
        rows_hbm.at[idx_v.at[pl.ds(off, HALF)]],
        vals_v.at[pl.ds(off, HALF)], sem,
    )
    cp1 = pltpu.async_copy(
        rows_hbm.at[idx_v.at[pl.ds(off + HALF, HALF)]],
        vals_v.at[pl.ds(off + HALF, HALF)], sem,
    )
    return cp0, cp1


def _softmax_store(i, slot, vals_v, out_v, out_hbm):
    off = slot * W_PAD
    lanes = lax.broadcasted_iota(jnp.int32, (L,), 0)
    tail_mask = lanes < (N_HIST - (N_CHUNKS - 1) * L)
    neg_inf = jnp.float32(-jnp.inf)
    vs = []
    mx_lane = None
    for c in range(N_CHUNKS):
        g = vals_v[pl.ds(off + c * L, L)]
        v = 1.0 / g
        if c == N_CHUNKS - 1:
            v = jnp.where(tail_mask, v, neg_inf)
        vs.append(v)
        mx_lane = v if mx_lane is None else jnp.maximum(mx_lane, v)
    m = _lane_reduce(mx_lane, jnp.maximum)
    es = []
    s_lane = None
    for v in vs:
        e = jnp.exp(v - m)
        es.append(e)
        s_lane = e if s_lane is None else s_lane + e
    s = _lane_reduce(s_lane, lambda a, b: a + b)
    for c, e in enumerate(es):
        out_v[pl.ds(c * L, L)] = e / s
    pltpu.sync_copy(out_v.at[pl.ds(0, N_HIST)], out_hbm.at[pl.ds(i * N_HIST, N_HIST)])


@functools.partial(
    pl.kernel,
    mesh=plsc.VectorSubcoreMesh(core_axis_name="c", subcore_axis_name="s"),
    out_type=jax.ShapeDtypeStruct((N_CUR * N_HIST,), jnp.float32),
    scratch_types=[
        pltpu.VMEM((W_PAD,), jnp.int32),
        pltpu.VMEM((2 * W_PAD,), jnp.int32),
        pltpu.VMEM((2 * W_PAD,), jnp.float32),
        pltpu.VMEM((W_PAD,), jnp.float32),
        pltpu.SemaphoreType.DMA,
        pltpu.SemaphoreType.DMA,
    ],
)
def _attn_loc_sc(
    hist_hbm, rows_hbm, out_hbm,
    hist_v, idx_v, vals_v, out_v, sem0, sem1,
):
    w = lax.axis_index("s") * NC + lax.axis_index("c")
    pltpu.sync_copy(hist_hbm, hist_v.at[pl.ds(0, N_HIST)])
    i0 = w
    i1 = w + NW
    c00, c01 = _issue_row(i0, 0, hist_v, idx_v, vals_v, sem0, rows_hbm)
    cps1 = []

    @pl.when(i1 < N_CUR)
    def _():
        cps1.extend(_issue_row(i1, 1, hist_v, idx_v, vals_v, sem1, rows_hbm))

    c00.wait()
    c01.wait()
    _softmax_store(i0, 0, vals_v, out_v, out_hbm)

    @pl.when(i1 < N_CUR)
    def _():
        cps1[0].wait()
        cps1[1].wait()
        _softmax_store(i1, 1, vals_v, out_v, out_hbm)


def kernel(history, current, poi_distance_matrix):
    hist = history.astype(jnp.int32)
    cur = current.astype(jnp.int32)
    rows_flat = _gather_rows_tc(cur, *([poi_distance_matrix] * RPS))
    return _attn_loc_sc(hist, rows_flat).reshape(N_CUR, N_HIST)

# --- scband reference (transcript-rebuilt; emitter-appended) ---
"""Pipeline reference for scband-attn-loc-90795608637907 (READ-ONLY COPY).

The authoritative reference and input builder live on the scoring server;
editing this copy changes nothing except your own understanding.
"""

import jax, jax.numpy as jnp
import numpy as np


def setup_inputs(seed: int = 0) -> dict:
    key = jax.random.key(seed)
    k1, k2, k3 = jax.random.split(key, 3)
    history = jax.random.randint(k1, (200,), 0, 10000, dtype=jnp.int64)
    current = jax.random.randint(k2, (50,), 0, 10000, dtype=jnp.int64)
    poi_distance_matrix = jax.random.uniform(k3, (10000, 10000), dtype=jnp.float32)
    return {"history": history, "current": current, "poi_distance_matrix": poi_distance_matrix}


def reference(history, current, poi_distance_matrix):
    # attn_energies[i, j] = 1 / poi_distance_matrix[current[i], history[j]]
    gathered = poi_distance_matrix[current[:, None], history[None, :]]
    attn_energies = 1.0 / gathered
    # F.softmax with no dim on a 2D tensor -> softmax over dim=1 (legacy behavior)
    return jax.nn.softmax(attn_energies, axis=1)

if __name__ == "__main__":
    import jax
    _d = setup_inputs()
    print(jax.jit(kernel)(*tuple(_d.values())))

</pallas_src>

<mosaic_0001>
#map = affine_map<(d0, d1) -> (0)>
module attributes {stable_mosaic.version = 14 : i64} {
  func.func @_attn_loc_sc(%arg0: i32, %arg1: i32, %arg2: memref<200xi32, #tpu.memory_space<hbm>>, %arg3: memref<566272xf32, #tpu.memory_space<hbm>>, %arg4: memref<10000xf32, #tpu.memory_space<hbm>>, %arg5: memref<208xi32, #tpu.memory_space<vmem>>, %arg6: memref<416xi32, #tpu.memory_space<vmem>>, %arg7: memref<416xf32, #tpu.memory_space<vmem>>, %arg8: memref<208xf32, #tpu.memory_space<vmem>>, %arg9: memref<!tpu.dma_semaphore, #tpu.memory_space<semaphore_mem>>, %arg10: memref<!tpu.dma_semaphore, #tpu.memory_space<semaphore_mem>>) attributes {dimension_semantics = [#tpu.dimension_semantics<core_parallel>, #tpu.dimension_semantics<subcore_parallel>], iteration_bounds = array<i64: 2, 16>, scalar_prefetch = 0 : i64, scratch_operands = 6 : i64, tpu.core_type = #tpu.core_type<sc_vector_subcore>, window_params = [{transform_indices = #map}, {transform_indices = #map}, {transform_indices = #map}]} {
    %mul3A = arith.constant 2 : i32
    %mul3A_0 = arith.muli %arg1, %mul3A : i32
    %add3A = arith.addi %mul3A_0, %arg0 : i32
    "tpu.region"() ({
      %run_scoped3A = tpu.sem_alloc : memref<!tpu.dma_semaphore, #tpu.memory_space<semaphore_mem>>
      %dma_start3A_467 = arith.constant 0 : i32
      %dma_start3A_468 = tpu.memref_slice %arg5[%dma_start3A_467] : memref<208xi32, #tpu.memory_space<vmem>> -> memref<200xi32, #tpu.memory_space<vmem>>
      %dma_start3A_469 = arith.constant 0 : i32
      %dma_start3A_470 = tpu.memref_slice %arg5[%dma_start3A_469] : memref<208xi32, #tpu.memory_space<vmem>> -> memref<200xi32, #tpu.memory_space<vmem>>
      tpu.enqueue_dma source(%arg2 : memref<200xi32, #tpu.memory_space<hbm>>) target(%dma_start3A_470 : memref<200xi32, #tpu.memory_space<vmem>>) target_semaphore(%run_scoped3A : memref<!tpu.dma_semaphore, #tpu.memory_space<semaphore_mem>>)
      %dma_wait3A_471 = arith.constant 0 : i32
      %dma_wait3A_472 = tpu.memref_slice %arg5[%dma_wait3A_471] : memref<208xi32, #tpu.memory_space<vmem>> -> memref<200xi32, #tpu.memory_space<vmem>>
      %dma_wait3A_473 = arith.constant 0 : i32
      %dma_wait3A_474 = tpu.memref_slice %arg5[%dma_wait3A_473] : memref<208xi32, #tpu.memory_space<vmem>> -> memref<200xi32, #tpu.memory_space<vmem>>
      tpu.wait_dma2 semaphore(%run_scoped3A : memref<!tpu.dma_semaphore, #tpu.memory_space<semaphore_mem>>) src(%arg2 : memref<200xi32, #tpu.memory_space<hbm>>) dst(%dma_wait3A_474 : memref<200xi32, #tpu.memory_space<vmem>>)
      tpu.yield
    }) : () -> ()
    %add3A_1 = arith.constant 32 : i32
    %add3A_2 = arith.addi %add3A, %add3A_1 : i32
    %mul3A_3 = arith.constant 10112 : i32
    %mul3A_4 = arith.muli %add3A, %mul3A_3 : i32
    %iota3A = tpu.iota {dimensions = array<i32: 0>} : vector<16xi32>
    %lt3A = arith.constant 8 : i32
    %lt3A_5 = vector.broadcast %lt3A : i32 to vector<16xi32>
    %lt3A_6 = arith.cmpi slt, %iota3A, %lt3A_5 : vector<16xi32>
    %get3A = arith.constant 0 : index
    %get3A_7 = tpu.vector_load %arg5[%get3A] {strides = array<i32>} : memref<208xi32, #tpu.memory_space<vmem>>, vector<16xi32>,
    %get3A_8 = vector.shape_cast %get3A_7 : vector<16xi32> to vector<16xi32>
    %add3A_9 = vector.broadcast %mul3A_4 : i32 to vector<16xi32>
    %add3A_10 = arith.addi %get3A_8, %add3A_9 : vector<16xi32>
    %swap3A = arith.constant 0 : index
    %swap3A_11 = tpu.vector_load %arg6[%swap3A] {strides = array<i32>} : memref<416xi32, #tpu.memory_space<vmem>>, vector<16xi32>,
    %swap3A_12 = vector.shape_cast %swap3A_11 : vector<16xi32> to vector<16xi32>
    %swap3A_13 = vector.shape_cast %add3A_10 : vector<16xi32> to vector<16xi32>
    tpu.vector_store %arg6[%swap3A], %swap3A_13 {strides = array<i32>} : memref<416xi32, #tpu.memory_space<vmem>>, vector<16xi32>,
    %get3A_14 = arith.constant 16 : index
    %get3A_15 = tpu.vector_load %arg5[%get3A_14] {strides = array<i32>} : memref<208xi32, #tpu.memory_space<vmem>>, vector<16xi32>,
    %get3A_16 = vector.shape_cast %get3A_15 : vector<16xi32> to vector<16xi32>
    %add3A_17 = vector.broadcast %mul3A_4 : i32 to vector<16xi32>
    %add3A_18 = arith.addi %get3A_16, %add3A_17 : vector<16xi32>
    %swap3A_19 = arith.constant 16 : index
    %swap3A_20 = tpu.vector_load %arg6[%swap3A_19] {strides = array<i32>} : memref<416xi32, #tpu.memory_space<vmem>>, vector<16xi32>,
    %swap3A_21 = vector.shape_cast %swap3A_20 : vector<16xi32> to vector<16xi32>
    %swap3A_22 = vector.shape_cast %add3A_18 : vector<16xi32> to vector<16xi32>
    tpu.vector_store %arg6[%swap3A_19], %swap3A_22 {strides = array<i32>} : memref<416xi32, #tpu.memory_space<vmem>>, vector<16xi32>,
    %get3A_23 = arith.constant 32 : index
    %get3A_24 = tpu.vector_load %arg5[%get3A_23] {strides = array<i32>} : memref<208xi32, #tpu.memory_space<vmem>>, vector<16xi32>,
    %get3A_25 = vector.shape_cast %get3A_24 : vector<16xi32> to vector<16xi32>
    %add3A_26 = vector.broadcast %mul3A_4 : i32 to vector<16xi32>
    %add3A_27 = arith.addi %get3A_25, %add3A_26 : vector<16xi32>
    %swap3A_28 = arith.constant 32 : index
    %swap3A_29 = tpu.vector_load %arg6[%swap3A_28] {strides = array<i32>} : memref<416xi32, #tpu.memory_space<vmem>>, vector<16xi32>,
    %swap3A_30 = vector.shape_cast %swap3A_29 : vector<16xi32> to vector<16xi32>
    %swap3A_31 = vector.shape_cast %add3A_27 : vector<16xi32> to vector<16xi32>
    tpu.vector_store %arg6[%swap3A_28], %swap3A_31 {strides = array<i32>} : memref<416xi32, #tpu.memory_space<vmem>>, vector<16xi32>,
    %get3A_32 = arith.constant 48 : index
    %get3A_33 = tpu.vector_load %arg5[%get3A_32] {strides = array<i32>} : memref<208xi32, #tpu.memory_space<vmem>>, vector<16xi32>,
    %get3A_34 = vector.shape_cast %get3A_33 : vector<16xi32> to vector<16xi32>
    %add3A_35 = vector.broadcast %mul3A_4 : i32 to vector<16xi32>
    %add3A_36 = arith.addi %get3A_34, %add3A_35 : vector<16xi32>
    %swap3A_37 = arith.constant 48 : index
    %swap3A_38 = tpu.vector_load %arg6[%swap3A_37] {strides = array<i32>} : memref<416xi32, #tpu.memory_space<vmem>>, vector<16xi32>,
    %swap3A_39 = vector.shape_cast %swap3A_38 : vector<16xi32> to vector<16xi32>
    %swap3A_40 = vector.shape_cast %add3A_36 : vector<16xi32> to vector<16xi32>
    tpu.vector_store %arg6[%swap3A_37], %swap3A_40 {strides = array<i32>} : memref<416xi32, #tpu.memory_space<vmem>>, vector<16xi32>,
    %get3A_41 = arith.constant 64 : index
    %get3A_42 = tpu.vector_load %arg5[%get3A_41] {strides = array<i32>} : memref<208xi32, #tpu.memory_space<vmem>>, vector<16xi32>,
    %get3A_43 = vector.shape_cast %get3A_42 : vector<16xi32> to vector<16xi32>
    %add3A_44 = vector.broadcast %mul3A_4 : i32 to vector<16xi32>
    %add3A_45 = arith.addi %get3A_43, %add3A_44 : vector<16xi32>
    %swap3A_46 = arith.constant 64 : index
    %swap3A_47 = tpu.vector_load %arg6[%swap3A_46] {strides = array<i32>} : memref<416xi32, #tpu.memory_space<vmem>>, vector<16xi32>,
    %swap3A_48 = vector.shape_cast %swap3A_47 : vector<16xi32> to vector<16xi32>
    %swap3A_49 = vector.shape_cast %add3A_45 : vector<16xi32> to vector<16xi32>
    tpu.vector_store %arg6[%swap3A_46], %swap3A_49 {strides = array<i32>} : memref<416xi32, #tpu.memory_space<vmem>>, vector<16xi32>,
    %get3A_50 = arith.constant 80 : index
    %get3A_51 = tpu.vector_load %arg5[%get3A_50] {strides = array<i32>} : memref<208xi32, #tpu.memory_space<vmem>>, vector<16xi32>,
    %get3A_52 = vector.shape_cast %get3A_51 : vector<16xi32> to vector<16xi32>
    %add3A_53 = vector.broadcast %mul3A_4 : i32 to vector<16xi32>
    %add3A_54 = arith.addi %get3A_52, %add3A_53 : vector<16xi32>
    %swap3A_55 = arith.constant 80 : index
    %swap3A_56 = tpu.vector_load %arg6[%swap3A_55] {strides = array<i32>} : memref<416xi32, #tpu.memory_space<vmem>>, vector<16xi32>,
    %swap3A_57 = vector.shape_cast %swap3A_56 : vector<16xi32> to vector<16xi32>
    %swap3A_58 = vector.shape_cast %add3A_54 : vector<16xi32> to vector<16xi32>
    tpu.vector_store %arg6[%swap3A_55], %swap3A_58 {strides = array<i32>} : memref<416xi32, #tpu.memory_space<vmem>>, vector<16xi32>,
    %get3A_59 = arith.constant 96 : index
    %get3A_60 = tpu.vector_load %arg5[%get3A_59] {strides = array<i32>} : memref<208xi32, #tpu.memory_space<vmem>>, vector<16xi32>,
    %get3A_61 = vector.shape_cast %get3A_60 : vector<16xi32> to vector<16xi32>
    %add3A_62 = vector.broadcast %mul3A_4 : i32 to vector<16xi32>
    %add3A_63 = arith.addi %get3A_61, %add3A_62 : vector<16xi32>
    %swap3A_64 = arith.constant 96 : index
    %swap3A_65 = tpu.vector_load %arg6[%swap3A_64] {strides = array<i32>} : memref<416xi32, #tpu.memory_space<vmem>>, vector<16xi32>,
    %swap3A_66 = vector.shape_cast %swap3A_65 : vector<16xi32> to vector<16xi32>
    %swap3A_67 = vector.shape_cast %add3A_63 : vector<16xi32> to vector<16xi32>
    tpu.vector_store %arg6[%swap3A_64], %swap3A_67 {strides = array<i32>} : memref<416xi32, #tpu.memory_space<vmem>>, vector<16xi32>,
    %get3A_68 = arith.constant 112 : index
    %get3A_69 = tpu.vector_load %arg5[%get3A_68] {strides = array<i32>} : memref<208xi32, #tpu.memory_space<vmem>>, vector<16xi32>,
    %get3A_70 = vector.shape_cast %get3A_69 : vector<16xi32> to vector<16xi32>
    %add3A_71 = vector.broadcast %mul3A_4 : i32 to vector<16xi32>
    %add3A_72 = arith.addi %get3A_70, %add3A_71 : vector<16xi32>
    %swap3A_73 = arith.constant 112 : index
    %swap3A_74 = tpu.vector_load %arg6[%swap3A_73] {strides = array<i32>} : memref<416xi32, #tpu.memory_space<vmem>>, vector<16xi32>,
    %swap3A_75 = vector.shape_cast %swap3A_74 : vector<16xi32> to vector<16xi32>
    %swap3A_76 = vector.shape_cast %add3A_72 : vector<16xi32> to vector<16xi32>
    tpu.vector_store %arg6[%swap3A_73], %swap3A_76 {strides = array<i32>} : memref<416xi32, #tpu.memory_space<vmem>>, vector<16xi32>,
    %get3A_77 = arith.constant 128 : index
    %get3A_78 = tpu.vector_load %arg5[%get3A_77] {strides = array<i32>} : memref<208xi32, #tpu.memory_space<vmem>>, vector<16xi32>,
    %get3A_79 = vector.shape_cast %get3A_78 : vector<16xi32> to vector<16xi32>
    %add3A_80 = vector.broadcast %mul3A_4 : i32 to vector<16xi32>
    %add3A_81 = arith.addi %get3A_79, %add3A_80 : vector<16xi32>
    %swap3A_82 = arith.constant 128 : index
    %swap3A_83 = tpu.vector_load %arg6[%swap3A_82] {strides = array<i32>} : memref<416xi32, #tpu.memory_space<vmem>>, vector<16xi32>,
    %swap3A_84 = vector.shape_cast %swap3A_83 : vector<16xi32> to vector<16xi32>
    %swap3A_85 = vector.shape_cast %add3A_81 : vector<16xi32> to vector<16xi32>
    tpu.vector_store %arg6[%swap3A_82], %swap3A_85 {strides = array<i32>} : memref<416xi32, #tpu.memory_space<vmem>>, vector<16xi32>,
    %get3A_86 = arith.constant 144 : index
    %get3A_87 = tpu.vector_load %arg5[%get3A_86] {strides = array<i32>} : memref<208xi32, #tpu.memory_space<vmem>>, vector<16xi32>,
    %get3A_88 = vector.shape_cast %get3A_87 : vector<16xi32> to vector<16xi32>
    %add3A_89 = vector.broadcast %mul3A_4 : i32 to vector<16xi32>
    %add3A_90 = arith.addi %get3A_88, %add3A_89 : vector<16xi32>
    %swap3A_91 = arith.constant 144 : index
    %swap3A_92 = tpu.vector_load %arg6[%swap3A_91] {strides = array<i32>} : memref<416xi32, #tpu.memory_space<vmem>>, vector<16xi32>,
    %swap3A_93 = vector.shape_cast %swap3A_92 : vector<16xi32> to vector<16xi32>
    %swap3A_94 = vector.shape_cast %add3A_90 : vector<16xi32> to vector<16xi32>
    tpu.vector_store %arg6[%swap3A_91], %swap3A_94 {strides = array<i32>} : memref<416xi32, #tpu.memory_space<vmem>>, vector<16xi32>,
    %get3A_95 = arith.constant 160 : index
    %get3A_96 = tpu.vector_load %arg5[%get3A_95] {strides = array<i32>} : memref<208xi32, #tpu.memory_space<vmem>>, vector<16xi32>,
    %get3A_97 = vector.shape_cast %get3A_96 : vector<16xi32> to vector<16xi32>
    %add3A_98 = vector.broadcast %mul3A_4 : i32 to vector<16xi32>
    %add3A_99 = arith.addi %get3A_97, %add3A_98 : vector<16xi32>
    %swap3A_100 = arith.constant 160 : index
    %swap3A_101 = tpu.vector_load %arg6[%swap3A_100] {strides = array<i32>} : memref<416xi32, #tpu.memory_space<vmem>>, vector<16xi32>,
    %swap3A_102 = vector.shape_cast %swap3A_101 : vector<16xi32> to vector<16xi32>
    %swap3A_103 = vector.shape_cast %add3A_99 : vector<16xi32> to vector<16xi32>
    tpu.vector_store %arg6[%swap3A_100], %swap3A_103 {strides = array<i32>} : memref<416xi32, #tpu.memory_space<vmem>>, vector<16xi32>,
    %get3A_104 = arith.constant 176 : index
    %get3A_105 = tpu.vector_load %arg5[%get3A_104] {strides = array<i32>} : memref<208xi32, #tpu.memory_space<vmem>>, vector<16xi32>,
    %get3A_106 = vector.shape_cast %get3A_105 : vector<16xi32> to vector<16xi32>
    %add3A_107 = vector.broadcast %mul3A_4 : i32 to vector<16xi32>
    %add3A_108 = arith.addi %get3A_106, %add3A_107 : vector<16xi32>
    %swap3A_109 = arith.constant 176 : index
    %swap3A_110 = tpu.vector_load %arg6[%swap3A_109] {strides = array<i32>} : memref<416xi32, #tpu.memory_space<vmem>>, vector<16xi32>,
    %swap3A_111 = vector.shape_cast %swap3A_110 : vector<16xi32> to vector<16xi32>
    %swap3A_112 = vector.shape_cast %add3A_108 : vector<16xi32> to vector<16xi32>
    tpu.vector_store %arg6[%swap3A_109], %swap3A_112 {strides = array<i32>} : memref<416xi32, #tpu.memory_space<vmem>>, vector<16xi32>,
    %get3A_113 = arith.constant 192 : index
    %get3A_114 = tpu.vector_load %arg5[%get3A_113] {strides = array<i32>} : memref<208xi32, #tpu.memory_space<vmem>>, vector<16xi32>,
    %get3A_115 = vector.shape_cast %get3A_114 : vector<16xi32> to vector<16xi32>
    %add3A_116 = vector.broadcast %mul3A_4 : i32 to vector<16xi32>
    %add3A_117 = arith.addi %get3A_115, %add3A_116 : vector<16xi32>
    %broadcast_in_dim3A = vector.broadcast %mul3A_4 : i32 to vector<16xi32>
    %select_n3A = arith.select %lt3A_6, %add3A_117, %broadcast_in_dim3A : vector<16xi1>, vector<16xi32>
    %swap3A_118 = arith.constant 192 : index
    %swap3A_119 = tpu.vector_load %arg6[%swap3A_118] {strides = array<i32>} : memref<416xi32, #tpu.memory_space<vmem>>, vector<16xi32>,
    %swap3A_120 = vector.shape_cast %swap3A_119 : vector<16xi32> to vector<16xi32>
    %swap3A_121 = vector.shape_cast %select_n3A : vector<16xi32> to vector<16xi32>
    tpu.vector_store %arg6[%swap3A_118], %swap3A_121 {strides = array<i32>} : memref<416xi32, #tpu.memory_space<vmem>>, vector<16xi32>,
    %dma_start3A = arith.constant 0 : i32
    %dma_start3A_122 = tpu.memref_slice %arg7[%dma_start3A] : memref<416xf32, #tpu.memory_space<vmem>> -> memref<104xf32, #tpu.memory_space<vmem>>
    %dma_start3A_123 = arith.constant 0 : i32
    %dma_start3A_124 = tpu.memref_slice %arg6[%dma_start3A_123] : memref<416xi32, #tpu.memory_space<vmem>> -> memref<104xi32, #tpu.memory_space<vmem>>
    %dma_start3A_125 = arith.constant 0 : i32
    %dma_start3A_126 = tpu.memref_slice %arg3[%dma_start3A_125] : memref<566272xf32, #tpu.memory_space<hbm>> -> memref<566272xf32, #tpu.memory_space<hbm>>
    tpu.enqueue_indirect_dma source(%dma_start3A_126 : memref<566272xf32, #tpu.memory_space<hbm>>) target(%dma_start3A_122 : memref<104xf32, #tpu.memory_space<vmem>>) offsets(%dma_start3A_124 : memref<104xi32, #tpu.memory_space<vmem>>) semaphore(%arg9 : memref<!tpu.dma_semaphore, #tpu.memory_space<semaphore_mem>>)
    %dma_start3A_127 = arith.constant 104 : i32
    %dma_start3A_128 = tpu.memref_slice %arg7[%dma_start3A_127] : memref<416xf32, #tpu.memory_space<vmem>> -> memref<104xf32, #tpu.memory_space<vmem>>
    %dma_start3A_129 = arith.constant 104 : i32
    %dma_start3A_130 = tpu.memref_slice %arg6[%dma_start3A_129] : memref<416xi32, #tpu.memory_space<vmem>> -> memref<104xi32, #tpu.memory_space<vmem>>
    %dma_start3A_131 = arith.constant 0 : i32
    %dma_start3A_132 = tpu.memref_slice %arg3[%dma_start3A_131] : memref<566272xf32, #tpu.memory_space<hbm>> -> memref<566272xf32, #tpu.memory_space<hbm>>
    tpu.enqueue_indirect_dma source(%dma_start3A_132 : memref<566272xf32, #tpu.memory_space<hbm>>) target(%dma_start3A_128 : memref<104xf32, #tpu.memory_space<vmem>>) offsets(%dma_start3A_130 : memref<104xi32, #tpu.memory_space<vmem>>) semaphore(%arg9 : memref<!tpu.dma_semaphore, #tpu.memory_space<semaphore_mem>>)
    %lt3A_133 = arith.constant 50 : i32
    %lt3A_134 = arith.cmpi slt, %add3A_2, %lt3A_133 : i32
    %convert_element_type3A = arith.extui %lt3A_134 : i1 to i32
    %cond3A = arith.constant 0 : i32
    %cond3A_135 = arith.cmpi ne, %convert_element_type3A, %cond3A : i32
    scf.if %cond3A_135 {
      %mul3A_467 = arith.constant 10112 : i32
      %mul3A_468 = arith.muli %add3A_2, %mul3A_467 : i32
      %iota3A_469 = tpu.iota {dimensions = array<i32: 0>} : vector<16xi32>
      %lt3A_470 = arith.constant 8 : i32
      %lt3A_471 = vector.broadcast %lt3A_470 : i32 to vector<16xi32>
      %lt3A_472 = arith.cmpi slt, %iota3A_469, %lt3A_471 : vector<16xi32>
      %get3A_473 = arith.constant 0 : index
      %get3A_474 = tpu.vector_load %arg5[%get3A_473] {strides = array<i32>} : memref<208xi32, #tpu.memory_space<vmem>>, vector<16xi32>,
      %get3A_475 = vector.shape_cast %get3A_474 : vector<16xi32> to vector<16xi32>
      %add3A_476 = vector.broadcast %mul3A_468 : i32 to vector<16xi32>
      %add3A_477 = arith.addi %get3A_475, %add3A_476 : vector<16xi32>
      %swap3A_478 = arith.constant 208 : index
      %swap3A_479 = tpu.vector_load %arg6[%swap3A_478] {strides = array<i32>} : memref<416xi32, #tpu.memory_space<vmem>>, vector<16xi32>,
      %swap3A_480 = vector.shape_cast %swap3A_479 : vector<16xi32> to vector<16xi32>
      %swap3A_481 = vector.shape_cast %add3A_477 : vector<16xi32> to vector<16xi32>
      tpu.vector_store %arg6[%swap3A_478], %swap3A_481 {strides = array<i32>} : memref<416xi32, #tpu.memory_space<vmem>>, vector<16xi32>,
      %get3A_482 = arith.constant 16 : index
      %get3A_483 = tpu.vector_load %arg5[%get3A_482] {strides = array<i32>} : memref<208xi32, #tpu.memory_space<vmem>>, vector<16xi32>,
      %get3A_484 = vector.shape_cast %get3A_483 : vector<16xi32> to vector<16xi32>
      %add3A_485 = vector.broadcast %mul3A_468 : i32 to vector<16xi32>
      %add3A_486 = arith.addi %get3A_484, %add3A_485 : vector<16xi32>
      %swap3A_487 = arith.constant 224 : index
      %swap3A_488 = tpu.vector_load %arg6[%swap3A_487] {strides = array<i32>} : memref<416xi32, #tpu.memory_space<vmem>>, vector<16xi32>,
      %swap3A_489 = vector.shape_cast %swap3A_488 : vector<16xi32> to vector<16xi32>
      %swap3A_490 = vector.shape_cast %add3A_486 : vector<16xi32> to vector<16xi32>
      tpu.vector_store %arg6[%swap3A_487], %swap3A_490 {strides = array<i32>} : memref<416xi32, #tpu.memory_space<vmem>>, vector<16xi32>,
      %get3A_491 = arith.constant 32 : index
      %get3A_492 = tpu.vector_load %arg5[%get3A_491] {strides = array<i32>} : memref<208xi32, #tpu.memory_space<vmem>>, vector<16xi32>,
      %get3A_493 = vector.shape_cast %get3A_492 : vector<16xi32> to vector<16xi32>
      %add3A_494 = vector.broadcast %mul3A_468 : i32 to vector<16xi32>
      %add3A_495 = arith.addi %get3A_493, %add3A_494 : vector<16xi32>
      %swap3A_496 = arith.constant 240 : index
      %swap3A_497 = tpu.vector_load %arg6[%swap3A_496] {strides = array<i32>} : memref<416xi32, #tpu.memory_space<vmem>>, vector<16xi32>,
      %swap3A_498 = vector.shape_cast %swap3A_497 : vector<16xi32> to vector<16xi32>
      %swap3A_499 = vector.shape_cast %add3A_495 : vector<16xi32> to vector<16xi32>
      tpu.vector_store %arg6[%swap3A_496], %swap3A_499 {strides = array<i32>} : memref<416xi32, #tpu.memory_space<vmem>>, vector<16xi32>,
      %get3A_500 = arith.constant 48 : index
      %get3A_501 = tpu.vector_load %arg5[%get3A_500] {strides = array<i32>} : memref<208xi32, #tpu.memory_space<vmem>>, vector<16xi32>,
      %get3A_502 = vector.shape_cast %get3A_501 : vector<16xi32> to vector<16xi32>
      %add3A_503 = vector.broadcast %mul3A_468 : i32 to vector<16xi32>
      %add3A_504 = arith.addi %get3A_502, %add3A_503 : vector<16xi32>
      %swap3A_505 = arith.constant 256 : index
      %swap3A_506 = tpu.vector_load %arg6[%swap3A_505] {strides = array<i32>} : memref<416xi32, #tpu.memory_space<vmem>>, vector<16xi32>,
      %swap3A_507 = vector.shape_cast %swap3A_506 : vector<16xi32> to vector<16xi32>
      %swap3A_508 = vector.shape_cast %add3A_504 : vector<16xi32> to vector<16xi32>
      tpu.vector_store %arg6[%swap3A_505], %swap3A_508 {strides = array<i32>} : memref<416xi32, #tpu.memory_space<vmem>>, vector<16xi32>,
      %get3A_509 = arith.constant 64 : index
      %get3A_510 = tpu.vector_load %arg5[%get3A_509] {strides = array<i32>} : memref<208xi32, #tpu.memory_space<vmem>>, vector<16xi32>,
      %get3A_511 = vector.shape_cast %get3A_510 : vector<16xi32> to vector<16xi32>
      %add3A_512 = vector.broadcast %mul3A_468 : i32 to vector<16xi32>
      %add3A_513 = arith.addi %get3A_511, %add3A_512 : vector<16xi32>
      %swap3A_514 = arith.constant 272 : index
      %swap3A_515 = tpu.vector_load %arg6[%swap3A_514] {strides = array<i32>} : memref<416xi32, #tpu.memory_space<vmem>>, vector<16xi32>,
      %swap3A_516 = vector.shape_cast %swap3A_515 : vector<16xi32> to vector<16xi32>
      %swap3A_517 = vector.shape_cast %add3A_513 : vector<16xi32> to vector<16xi32>
      tpu.vector_store %arg6[%swap3A_514], %swap3A_517 {strides = array<i32>} : memref<416xi32, #tpu.memory_space<vmem>>, vector<16xi32>,
      %get3A_518 = arith.constant 80 : index
      %get3A_519 = tpu.vector_load %arg5[%get3A_518] {strides = array<i32>} : memref<208xi32, #tpu.memory_space<vmem>>, vector<16xi32>,
      %get3A_520 = vector.shape_cast %get3A_519 : vector<16xi32> to vector<16xi32>
      %add3A_521 = vector.broadcast %mul3A_468 : i32 to vector<16xi32>
      %add3A_522 = arith.addi %get3A_520, %add3A_521 : vector<16xi32>
      %swap3A_523 = arith.constant 288 : index
      %swap3A_524 = tpu.vector_load %arg6[%swap3A_523] {strides = array<i32>} : memref<416xi32, #tpu.memory_space<vmem>>, vector<16xi32>,
      %swap3A_525 = vector.shape_cast %swap3A_524 : vector<16xi32> to vector<16xi32>
      %swap3A_526 = vector.shape_cast %add3A_522 : vector<16xi32> to vector<16xi32>
      tpu.vector_store %arg6[%swap3A_523], %swap3A_526 {strides = array<i32>} : memref<416xi32, #tpu.memory_space<vmem>>, vector<16xi32>,
      %get3A_527 = arith.constant 96 : index
      %get3A_528 = tpu.vector_load %arg5[%get3A_527] {strides = array<i32>} : memref<208xi32, #tpu.memory_space<vmem>>, vector<16xi32>,
      %get3A_529 = vector.shape_cast %get3A_528 : vector<16xi32> to vector<16xi32>
      %add3A_530 = vector.broadcast %mul3A_468 : i32 to vector<16xi32>
      %add3A_531 = arith.addi %get3A_529, %add3A_530 : vector<16xi32>
      %swap3A_532 = arith.constant 304 : index
      %swap3A_533 = tpu.vector_load %arg6[%swap3A_532] {strides = array<i32>} : memref<416xi32, #tpu.memory_space<vmem>>, vector<16xi32>,
      %swap3A_534 = vector.shape_cast %swap3A_533 : vector<16xi32> to vector<16xi32>
      %swap3A_535 = vector.shape_cast %add3A_531 : vector<16xi32> to vector<16xi32>
      tpu.vector_store %arg6[%swap3A_532], %swap3A_535 {strides = array<i32>} : memref<416xi32, #tpu.memory_space<vmem>>, vector<16xi32>,
      %get3A_536 = arith.constant 112 : index
      %get3A_537 = tpu.vector_load %arg5[%get3A_536] {strides = array<i32>} : memref<208xi32, #tpu.memory_space<vmem>>, vector<16xi32>,
      %get3A_538 = vector.shape_cast %get3A_537 : vector<16xi32> to vector<16xi32>
      %add3A_539 = vector.broadcast %mul3A_468 : i32 to vector<16xi32>
      %add3A_540 = arith.addi %get3A_538, %add3A_539 : vector<16xi32>
      %swap3A_541 = arith.constant 320 : index
      %swap3A_542 = tpu.vector_load %arg6[%swap3A_541] {strides = array<i32>} : memref<416xi32, #tpu.memory_space<vmem>>, vector<16xi32>,
      %swap3A_543 = vector.shape_cast %swap3A_542 : vector<16xi32> to vector<16xi32>
      %swap3A_544 = vector.shape_cast %add3A_540 : vector<16xi32> to vector<16xi32>
      tpu.vector_store %arg6[%swap3A_541], %swap3A_544 {strides = array<i32>} : memref<416xi32, #tpu.memory_space<vmem>>, vector<16xi32>,
      %get3A_545 = arith.constant 128 : index
      %get3A_546 = tpu.vector_load %arg5[%get3A_545] {strides = array<i32>} : memref<208xi32, #tpu.memory_space<vmem>>, vector<16xi32>,
      %get3A_547 = vector.shape_cast %get3A_546 : vector<16xi32> to vector<16xi32>
      %add3A_548 = vector.broadcast %mul3A_468 : i32 to vector<16xi32>
      %add3A_549 = arith.addi %get3A_547, %add3A_548 : vector<16xi32>
      %swap3A_550 = arith.constant 336 : index
      %swap3A_551 = tpu.vector_load %arg6[%swap3A_550] {strides = array<i32>} : memref<416xi32, #tpu.memory_space<vmem>>, vector<16xi32>,
      %swap3A_552 = vector.shape_cast %swap3A_551 : vector<16xi32> to vector<16xi32>
      %swap3A_553 = vector.shape_cast %add3A_549 : vector<16xi32> to vector<16xi32>
      tpu.vector_store %arg6[%swap3A_550], %swap3A_553 {strides = array<i32>} : memref<416xi32, #tpu.memory_space<vmem>>, vector<16xi32>,
      %get3A_554 = arith.constant 144 : index
      %get3A_555 = tpu.vector_load %arg5[%get3A_554] {strides = array<i32>} : memref<208xi32, #tpu.memory_space<vmem>>, vector<16xi32>,
      %get3A_556 = vector.shape_cast %get3A_555 : vector<16xi32> to vector<16xi32>
      %add3A_557 = vector.broadcast %mul3A_468 : i32 to vector<16xi32>
      %add3A_558 = arith.addi %get3A_556, %add3A_557 : vector<16xi32>
      %swap3A_559 = arith.constant 352 : index
      %swap3A_560 = tpu.vector_load %arg6[%swap3A_559] {strides = array<i32>} : memref<416xi32, #tpu.memory_space<vmem>>, vector<16xi32>,
      %swap3A_561 = vector.shape_cast %swap3A_560 : vector<16xi32> to vector<16xi32>
      %swap3A_562 = vector.shape_cast %add3A_558 : vector<16xi32> to vector<16xi32>
      tpu.vector_store %arg6[%swap3A_559], %swap3A_562 {strides = array<i32>} : memref<416xi32, #tpu.memory_space<vmem>>, vector<16xi32>,
      %get3A_563 = arith.constant 160 : index
      %get3A_564 = tpu.vector_load %arg5[%get3A_563] {strides = array<i32>} : memref<208xi32, #tpu.memory_space<vmem>>, vector<16xi32>,
      %get3A_565 = vector.shape_cast %get3A_564 : vector<16xi32> to vector<16xi32>
      %add3A_566 = vector.broadcast %mul3A_468 : i32 to vector<16xi32>
      %add3A_567 = arith.addi %get3A_565, %add3A_566 : vector<16xi32>
      %swap3A_568 = arith.constant 368 : index
      %swap3A_569 = tpu.vector_load %arg6[%swap3A_568] {strides = array<i32>} : memref<416xi32, #tpu.memory_space<vmem>>, vector<16xi32>,
      %swap3A_570 = vector.shape_cast %swap3A_569 : vector<16xi32> to vector<16xi32>
      %swap3A_571 = vector.shape_cast %add3A_567 : vector<16xi32> to vector<16xi32>
      tpu.vector_store %arg6[%swap3A_568], %swap3A_571 {strides = array<i32>} : memref<416xi32, #tpu.memory_space<vmem>>, vector<16xi32>,
      %get3A_572 = arith.constant 176 : index
      %get3A_573 = tpu.vector_load %arg5[%get3A_572] {strides = array<i32>} : memref<208xi32, #tpu.memory_space<vmem>>, vector<16xi32>,
      %get3A_574 = vector.shape_cast %get3A_573 : vector<16xi32> to vector<16xi32>
      %add3A_575 = vector.broadcast %mul3A_468 : i32 to vector<16xi32>
      %add3A_576 = arith.addi %get3A_574, %add3A_575 : vector<16xi32>
      %swap3A_577 = arith.constant 384 : index
      %swap3A_578 = tpu.vector_load %arg6[%swap3A_577] {strides = array<i32>} : memref<416xi32, #tpu.memory_space<vmem>>, vector<16xi32>,
      %swap3A_579 = vector.shape_cast %swap3A_578 : vector<16xi32> to vector<16xi32>
      %swap3A_580 = vector.shape_cast %add3A_576 : vector<16xi32> to vector<16xi32>
      tpu.vector_store %arg6[%swap3A_577], %swap3A_580 {strides = array<i32>} : memref<416xi32, #tpu.memory_space<vmem>>, vector<16xi32>,
      %get3A_581 = arith.constant 192 : index
      %get3A_582 = tpu.vector_load %arg5[%get3A_581] {strides = array<i32>} : memref<208xi32, #tpu.memory_space<vmem>>, vector<16xi32>,
      %get3A_583 = vector.shape_cast %get3A_582 : vector<16xi32> to vector<16xi32>
      %add3A_584 = vector.broadcast %mul3A_468 : i32 to vector<16xi32>
      %add3A_585 = arith.addi %get3A_583, %add3A_584 : vector<16xi32>
      %broadcast_in_dim3A_586 = vector.broadcast %mul3A_468 : i32 to vector<16xi32>
      %select_n3A_587 = arith.select %lt3A_472, %add3A_585, %broadcast_in_dim3A_586 : vector<16xi1>, vector<16xi32>
      %swap3A_588 = arith.constant 400 : index
      %swap3A_589 = tpu.vector_load %arg6[%swap3A_588] {strides = array<i32>} : memref<416xi32, #tpu.memory_space<vmem>>, vector<16xi32>,
      %swap3A_590 = vector.shape_cast %swap3A_589 : vector<16xi32> to vector<16xi32>
      %swap3A_591 = vector.shape_cast %select_n3A_587 : vector<16xi32> to vector<16xi32>
      tpu.vector_store %arg6[%swap3A_588], %swap3A_591 {strides = array<i32>} : memref<416xi32, #tpu.memory_space<vmem>>, vector<16xi32>,
      %dma_start3A_592 = arith.constant 208 : i32
      %dma_start3A_593 = tpu.memref_slice %arg7[%dma_start3A_592] : memref<416xf32, #tpu.memory_space<vmem>> -> memref<104xf32, #tpu.memory_space<vmem>>
      %dma_start3A_594 = arith.constant 208 : i32
      %dma_start3A_595 = tpu.memref_slice %arg6[%dma_start3A_594] : memref<416xi32, #tpu.memory_space<vmem>> -> memref<104xi32, #tpu.memory_space<vmem>>
      %dma_start3A_596 = arith.constant 0 : i32
      %dma_start3A_597 = tpu.memref_slice %arg3[%dma_start3A_596] : memref<566272xf32, #tpu.memory_space<hbm>> -> memref<566272xf32, #tpu.memory_space<hbm>>
      tpu.enqueue_indirect_dma source(%dma_start3A_597 : memref<566272xf32, #tpu.memory_space<hbm>>) target(%dma_start3A_593 : memref<104xf32, #tpu.memory_space<vmem>>) offsets(%dma_start3A_595 : memref<104xi32, #tpu.memory_space<vmem>>) semaphore(%arg10 : memref<!tpu.dma_semaphore, #tpu.memory_space<semaphore_mem>>)
      %dma_start3A_598 = arith.constant 312 : i32
      %dma_start3A_599 = tpu.memref_slice %arg7[%dma_start3A_598] : memref<416xf32, #tpu.memory_space<vmem>> -> memref<104xf32, #tpu.memory_space<vmem>>
      %dma_start3A_600 = arith.constant 312 : i32
      %dma_start3A_601 = tpu.memref_slice %arg6[%dma_start3A_600] : memref<416xi32, #tpu.memory_space<vmem>> -> memref<104xi32, #tpu.memory_space<vmem>>
      %dma_start3A_602 = arith.constant 0 : i32
      %dma_start3A_603 = tpu.memref_slice %arg3[%dma_start3A_602] : memref<566272xf32, #tpu.memory_space<hbm>> -> memref<566272xf32, #tpu.memory_space<hbm>>
      tpu.enqueue_indirect_dma source(%dma_start3A_603 : memref<566272xf32, #tpu.memory_space<hbm>>) target(%dma_start3A_599 : memref<104xf32, #tpu.memory_space<vmem>>) offsets(%dma_start3A_601 : memref<104xi32, #tpu.memory_space<vmem>>) semaphore(%arg10 : memref<!tpu.dma_semaphore, #tpu.memory_space<semaphore_mem>>)
    } else {
    }
    %dma_wait3A = arith.constant 0 : i32
    %dma_wait3A_136 = tpu.memref_slice %arg7[%dma_wait3A] : memref<416xf32, #tpu.memory_space<vmem>> -> memref<104xf32, #tpu.memory_space<vmem>>
    %dma_wait3A_137 = arith.constant 0 : i32
    %dma_wait3A_138 = tpu.memref_slice %arg6[%dma_wait3A_137] : memref<416xi32, #tpu.memory_space<vmem>> -> memref<104xi32, #tpu.memory_space<vmem>>
    %dma_wait3A_139 = arith.constant 0 : i32
    %dma_wait3A_140 = tpu.memref_slice %arg3[%dma_wait3A_139] : memref<566272xf32, #tpu.memory_space<hbm>> -> memref<566272xf32, #tpu.memory_space<hbm>>
    tpu.wait_indirect_dma semaphore(%arg9 : memref<!tpu.dma_semaphore, #tpu.memory_space<semaphore_mem>>) src(%dma_wait3A_140 : memref<566272xf32, #tpu.memory_space<hbm>>) dst(%dma_wait3A_136 : memref<104xf32, #tpu.memory_space<vmem>>)
    %dma_wait3A_141 = arith.constant 104 : i32
    %dma_wait3A_142 = tpu.memref_slice %arg7[%dma_wait3A_141] : memref<416xf32, #tpu.memory_space<vmem>> -> memref<104xf32, #tpu.memory_space<vmem>>
    %dma_wait3A_143 = arith.constant 104 : i32
    %dma_wait3A_144 = tpu.memref_slice %arg6[%dma_wait3A_143] : memref<416xi32, #tpu.memory_space<vmem>> -> memref<104xi32, #tpu.memory_space<vmem>>
    %dma_wait3A_145 = arith.constant 0 : i32
    %dma_wait3A_146 = tpu.memref_slice %arg3[%dma_wait3A_145] : memref<566272xf32, #tpu.memory_space<hbm>> -> memref<566272xf32, #tpu.memory_space<hbm>>
    tpu.wait_indirect_dma semaphore(%arg9 : memref<!tpu.dma_semaphore, #tpu.memory_space<semaphore_mem>>) src(%dma_wait3A_146 : memref<566272xf32, #tpu.memory_space<hbm>>) dst(%dma_wait3A_142 : memref<104xf32, #tpu.memory_space<vmem>>)
    %iota3A_147 = tpu.iota {dimensions = array<i32: 0>} : vector<16xi32>
    %lt3A_148 = arith.constant 8 : i32
    %lt3A_149 = vector.broadcast %lt3A_148 : i32 to vector<16xi32>
    %lt3A_150 = arith.cmpi slt, %iota3A_147, %lt3A_149 : vector<16xi32>
    %get3A_151 = arith.constant 0 : index
    %get3A_152 = tpu.vector_load %arg7[%get3A_151] {strides = array<i32>} : memref<416xf32, #tpu.memory_space<vmem>>, vector<16xf32>,
    %get3A_153 = vector.shape_cast %get3A_152 : vector<16xf32> to vector<16xf32>
    %div3A = arith.constant 1.000000e+00 : f32
    %div3A_154 = vector.broadcast %div3A : f32 to vector<16xf32>
    %div3A_155 = arith.divf %div3A_154, %get3A_153 : vector<16xf32>
    %get3A_156 = arith.constant 16 : index
    %get3A_157 = tpu.vector_load %arg7[%get3A_156] {strides = array<i32>} : memref<416xf32, #tpu.memory_space<vmem>>, vector<16xf32>,
    %get3A_158 = vector.shape_cast %get3A_157 : vector<16xf32> to vector<16xf32>
    %div3A_159 = arith.constant 1.000000e+00 : f32
    %div3A_160 = vector.broadcast %div3A_159 : f32 to vector<16xf32>
    %div3A_161 = arith.divf %div3A_160, %get3A_158 : vector<16xf32>
    %max3A = arith.maximumf %div3A_155, %div3A_161 : vector<16xf32>
    %get3A_162 = arith.constant 32 : index
    %get3A_163 = tpu.vector_load %arg7[%get3A_162] {strides = array<i32>} : memref<416xf32, #tpu.memory_space<vmem>>, vector<16xf32>,
    %get3A_164 = vector.shape_cast %get3A_163 : vector<16xf32> to vector<16xf32>
    %div3A_165 = arith.constant 1.000000e+00 : f32
    %div3A_166 = vector.broadcast %div3A_165 : f32 to vector<16xf32>
    %div3A_167 = arith.divf %div3A_166, %get3A_164 : vector<16xf32>
    %max3A_168 = arith.maximumf %max3A, %div3A_167 : vector<16xf32>
    %get3A_169 = arith.constant 48 : index
    %get3A_170 = tpu.vector_load %arg7[%get3A_169] {strides = array<i32>} : memref<416xf32, #tpu.memory_space<vmem>>, vector<16xf32>,
    %get3A_171 = vector.shape_cast %get3A_170 : vector<16xf32> to vector<16xf32>
    %div3A_172 = arith.constant 1.000000e+00 : f32
    %div3A_173 = vector.broadcast %div3A_172 : f32 to vector<16xf32>
    %div3A_174 = arith.divf %div3A_173, %get3A_171 : vector<16xf32>
    %max3A_175 = arith.maximumf %max3A_168, %div3A_174 : vector<16xf32>
    %get3A_176 = arith.constant 64 : index
    %get3A_177 = tpu.vector_load %arg7[%get3A_176] {strides = array<i32>} : memref<416xf32, #tpu.memory_space<vmem>>, vector<16xf32>,
    %get3A_178 = vector.shape_cast %get3A_177 : vector<16xf32> to vector<16xf32>
    %div3A_179 = arith.constant 1.000000e+00 : f32
    %div3A_180 = vector.broadcast %div3A_179 : f32 to vector<16xf32>
    %div3A_181 = arith.divf %div3A_180, %get3A_178 : vector<16xf32>
    %max3A_182 = arith.maximumf %max3A_175, %div3A_181 : vector<16xf32>
    %get3A_183 = arith.constant 80 : index
    %get3A_184 = tpu.vector_load %arg7[%get3A_183] {strides = array<i32>} : memref<416xf32, #tpu.memory_space<vmem>>, vector<16xf32>,
    %get3A_185 = vector.shape_cast %get3A_184 : vector<16xf32> to vector<16xf32>
    %div3A_186 = arith.constant 1.000000e+00 : f32
    %div3A_187 = vector.broadcast %div3A_186 : f32 to vector<16xf32>
    %div3A_188 = arith.divf %div3A_187, %get3A_185 : vector<16xf32>
    %max3A_189 = arith.maximumf %max3A_182, %div3A_188 : vector<16xf32>
    %get3A_190 = arith.constant 96 : index
    %get3A_191 = tpu.vector_load %arg7[%get3A_190] {strides = array<i32>} : memref<416xf32, #tpu.memory_space<vmem>>, vector<16xf32>,
    %get3A_192 = vector.shape_cast %get3A_191 : vector<16xf32> to vector<16xf32>
    %div3A_193 = arith.constant 1.000000e+00 : f32
    %div3A_194 = vector.broadcast %div3A_193 : f32 to vector<16xf32>
    %div3A_195 = arith.divf %div3A_194, %get3A_192 : vector<16xf32>
    %max3A_196 = arith.maximumf %max3A_189, %div3A_195 : vector<16xf32>
    %get3A_197 = arith.constant 112 : index
    %get3A_198 = tpu.vector_load %arg7[%get3A_197] {strides = array<i32>} : memref<416xf32, #tpu.memory_space<vmem>>, vector<16xf32>,
    %get3A_199 = vector.shape_cast %get3A_198 : vector<16xf32> to vector<16xf32>
    %div3A_200 = arith.constant 1.000000e+00 : f32
    %div3A_201 = vector.broadcast %div3A_200 : f32 to vector<16xf32>
    %div3A_202 = arith.divf %div3A_201, %get3A_199 : vector<16xf32>
    %max3A_203 = arith.maximumf %max3A_196, %div3A_202 : vector<16xf32>
    %get3A_204 = arith.constant 128 : index
    %get3A_205 = tpu.vector_load %arg7[%get3A_204] {strides = array<i32>} : memref<416xf32, #tpu.memory_space<vmem>>, vector<16xf32>,
    %get3A_206 = vector.shape_cast %get3A_205 : vector<16xf32> to vector<16xf32>
    %div3A_207 = arith.constant 1.000000e+00 : f32
    %div3A_208 = vector.broadcast %div3A_207 : f32 to vector<16xf32>
    %div3A_209 = arith.divf %div3A_208, %get3A_206 : vector<16xf32>
    %max3A_210 = arith.maximumf %max3A_203, %div3A_209 : vector<16xf32>
    %get3A_211 = arith.constant 144 : index
    %get3A_212 = tpu.vector_load %arg7[%get3A_211] {strides = array<i32>} : memref<416xf32, #tpu.memory_space<vmem>>, vector<16xf32>,
    %get3A_213 = vector.shape_cast %get3A_212 : vector<16xf32> to vector<16xf32>
    %div3A_214 = arith.constant 1.000000e+00 : f32
    %div3A_215 = vector.broadcast %div3A_214 : f32 to vector<16xf32>
    %div3A_216 = arith.divf %div3A_215, %get3A_213 : vector<16xf32>
    %max3A_217 = arith.maximumf %max3A_210, %div3A_216 : vector<16xf32>
    %get3A_218 = arith.constant 160 : index
    %get3A_219 = tpu.vector_load %arg7[%get3A_218] {strides = array<i32>} : memref<416xf32, #tpu.memory_space<vmem>>, vector<16xf32>,
    %get3A_220 = vector.shape_cast %get3A_219 : vector<16xf32> to vector<16xf32>
    %div3A_221 = arith.constant 1.000000e+00 : f32
    %div3A_222 = vector.broadcast %div3A_221 : f32 to vector<16xf32>
    %div3A_223 = arith.divf %div3A_222, %get3A_220 : vector<16xf32>
    %max3A_224 = arith.maximumf %max3A_217, %div3A_223 : vector<16xf32>
    %get3A_225 = arith.constant 176 : index
    %get3A_226 = tpu.vector_load %arg7[%get3A_225] {strides = array<i32>} : memref<416xf32, #tpu.memory_space<vmem>>, vector<16xf32>,
    %get3A_227 = vector.shape_cast %get3A_226 : vector<16xf32> to vector<16xf32>
    %div3A_228 = arith.constant 1.000000e+00 : f32
    %div3A_229 = vector.broadcast %div3A_228 : f32 to vector<16xf32>
    %div3A_230 = arith.divf %div3A_229, %get3A_227 : vector<16xf32>
    %max3A_231 = arith.maximumf %max3A_224, %div3A_230 : vector<16xf32>
    %get3A_232 = arith.constant 192 : index
    %get3A_233 = tpu.vector_load %arg7[%get3A_232] {strides = array<i32>} : memref<416xf32, #tpu.memory_space<vmem>>, vector<16xf32>,
    %get3A_234 = vector.shape_cast %get3A_233 : vector<16xf32> to vector<16xf32>
    %div3A_235 = arith.constant 1.000000e+00 : f32
    %div3A_236 = vector.broadcast %div3A_235 : f32 to vector<16xf32>
    %div3A_237 = arith.divf %div3A_236, %get3A_234 : vector<16xf32>
    %jit3A = arith.constant 0xFF800000 : f32
    %broadcast_in_dim3A_238 = vector.broadcast %jit3A : f32 to vector<16xf32>
    %select_n3A_239 = arith.select %lt3A_150, %div3A_237, %broadcast_in_dim3A_238 : vector<16xi1>, vector<16xf32>
    %max3A_240 = arith.maximumf %max3A_231, %select_n3A_239 : vector<16xf32>
    %slice3A = vector.extract_strided_slice %max3A_240 {offsets = [0], sizes = [1], strides = [1]} : vector<16xf32> to vector<1xf32>
    %squeeze3A = vector.extract %slice3A[0] : f32 from vector<1xf32>
    %slice3A_241 = vector.extract_strided_slice %max3A_240 {offsets = [1], sizes = [1], strides = [1]} : vector<16xf32> to vector<1xf32>
    %squeeze3A_242 = vector.extract %slice3A_241[0] : f32 from vector<1xf32>
    %slice3A_243 = vector.extract_strided_slice %max3A_240 {offsets = [2], sizes = [1], strides = [1]} : vector<16xf32> to vector<1xf32>
    %squeeze3A_244 = vector.extract %slice3A_243[0] : f32 from vector<1xf32>
    %slice3A_245 = vector.extract_strided_slice %max3A_240 {offsets = [3], sizes = [1], strides = [1]} : vector<16xf32> to vector<1xf32>
    %squeeze3A_246 = vector.extract %slice3A_245[0] : f32 from vector<1xf32>
    %slice3A_247 = vector.extract_strided_slice %max3A_240 {offsets = [4], sizes = [1], strides = [1]} : vector<16xf32> to vector<1xf32>
    %squeeze3A_248 = vector.extract %slice3A_247[0] : f32 from vector<1xf32>
    %slice3A_249 = vector.extract_strided_slice %max3A_240 {offsets = [5], sizes = [1], strides = [1]} : vector<16xf32> to vector<1xf32>
    %squeeze3A_250 = vector.extract %slice3A_249[0] : f32 from vector<1xf32>
    %slice3A_251 = vector.extract_strided_slice %max3A_240 {offsets = [6], sizes = [1], strides = [1]} : vector<16xf32> to vector<1xf32>
    %squeeze3A_252 = vector.extract %slice3A_251[0] : f32 from vector<1xf32>
    %slice3A_253 = vector.extract_strided_slice %max3A_240 {offsets = [7], sizes = [1], strides = [1]} : vector<16xf32> to vector<1xf32>
    %squeeze3A_254 = vector.extract %slice3A_253[0] : f32 from vector<1xf32>
    %slice3A_255 = vector.extract_strided_slice %max3A_240 {offsets = [8], sizes = [1], strides = [1]} : vector<16xf32> to vector<1xf32>
    %squeeze3A_256 = vector.extract %slice3A_255[0] : f32 from vector<1xf32>
    %slice3A_257 = vector.extract_strided_slice %max3A_240 {offsets = [9], sizes = [1], strides = [1]} : vector<16xf32> to vector<1xf32>
    %squeeze3A_258 = vector.extract %slice3A_257[0] : f32 from vector<1xf32>
    %slice3A_259 = vector.extract_strided_slice %max3A_240 {offsets = [10], sizes = [1], strides = [1]} : vector<16xf32> to vector<1xf32>
    %squeeze3A_260 = vector.extract %slice3A_259[0] : f32 from vector<1xf32>
    %slice3A_261 = vector.extract_strided_slice %max3A_240 {offsets = [11], sizes = [1], strides = [1]} : vector<16xf32> to vector<1xf32>
    %squeeze3A_262 = vector.extract %slice3A_261[0] : f32 from vector<1xf32>
    %slice3A_263 = vector.extract_strided_slice %max3A_240 {offsets = [12], sizes = [1], strides = [1]} : vector<16xf32> to vector<1xf32>
    %squeeze3A_264 = vector.extract %slice3A_263[0] : f32 from vector<1xf32>
    %slice3A_265 = vector.extract_strided_slice %max3A_240 {offsets = [13], sizes = [1], strides = [1]} : vector<16xf32> to vector<1xf32>
    %squeeze3A_266 = vector.extract %slice3A_265[0] : f32 from vector<1xf32>
    %slice3A_267 = vector.extract_strided_slice %max3A_240 {offsets = [14], sizes = [1], strides = [1]} : vector<16xf32> to vector<1xf32>
    %squeeze3A_268 = vector.extract %slice3A_267[0] : f32 from vector<1xf32>
    %slice3A_269 = vector.extract_strided_slice %max3A_240 {offsets = [15], sizes = [1], strides = [1]} : vector<16xf32> to vector<1xf32>
    %squeeze3A_270 = vector.extract %slice3A_269[0] : f32 from vector<1xf32>
    %max3A_271 = arith.maximumf %squeeze3A, %squeeze3A_242 : f32
    %max3A_272 = arith.maximumf %squeeze3A_244, %squeeze3A_246 : f32
    %max3A_273 = arith.maximumf %squeeze3A_248, %squeeze3A_250 : f32
    %max3A_274 = arith.maximumf %squeeze3A_252, %squeeze3A_254 : f32
    %max3A_275 = arith.maximumf %squeeze3A_256, %squeeze3A_258 : f32
    %max3A_276 = arith.maximumf %squeeze3A_260, %squeeze3A_262 : f32
    %max3A_277 = arith.maximumf %squeeze3A_264, %squeeze3A_266 : f32
    %max3A_278 = arith.maximumf %squeeze3A_268, %squeeze3A_270 : f32
    %max3A_279 = arith.maximumf %max3A_271, %max3A_272 : f32
    %max3A_280 = arith.maximumf %max3A_273, %max3A_274 : f32
    %max3A_281 = arith.maximumf %max3A_275, %max3A_276 : f32
    %max3A_282 = arith.maximumf %max3A_277, %max3A_278 : f32
    %max3A_283 = arith.maximumf %max3A_279, %max3A_280 : f32
    %max3A_284 = arith.maximumf %max3A_281, %max3A_282 : f32
    %max3A_285 = arith.maximumf %max3A_283, %max3A_284 : f32
    %sub3A = vector.broadcast %max3A_285 : f32 to vector<16xf32>
    %sub3A_286 = arith.subf %div3A_155, %sub3A : vector<16xf32>
    %exp3A = math.exp %sub3A_286 : vector<16xf32>
    %sub3A_287 = vector.broadcast %max3A_285 : f32 to vector<16xf32>
    %sub3A_288 = arith.subf %div3A_161, %sub3A_287 : vector<16xf32>
    %exp3A_289 = math.exp %sub3A_288 : vector<16xf32>
    %add3A_290 = arith.addf %exp3A, %exp3A_289 : vector<16xf32>
    %sub3A_291 = vector.broadcast %max3A_285 : f32 to vector<16xf32>
    %sub3A_292 = arith.subf %div3A_167, %sub3A_291 : vector<16xf32>
    %exp3A_293 = math.exp %sub3A_292 : vector<16xf32>
    %add3A_294 = arith.addf %add3A_290, %exp3A_293 : vector<16xf32>
    %sub3A_295 = vector.broadcast %max3A_285 : f32 to vector<16xf32>
    %sub3A_296 = arith.subf %div3A_174, %sub3A_295 : vector<16xf32>
    %exp3A_297 = math.exp %sub3A_296 : vector<16xf32>
    %add3A_298 = arith.addf %add3A_294, %exp3A_297 : vector<16xf32>
    %sub3A_299 = vector.broadcast %max3A_285 : f32 to vector<16xf32>
    %sub3A_300 = arith.subf %div3A_181, %sub3A_299 : vector<16xf32>
    %exp3A_301 = math.exp %sub3A_300 : vector<16xf32>
    %add3A_302 = arith.addf %add3A_298, %exp3A_301 : vector<16xf32>
    %sub3A_303 = vector.broadcast %max3A_285 : f32 to vector<16xf32>
    %sub3A_304 = arith.subf %div3A_188, %sub3A_303 : vector<16xf32>
    %exp3A_305 = math.exp %sub3A_304 : vector<16xf32>
    %add3A_306 = arith.addf %add3A_302, %exp3A_305 : vector<16xf32>
    %sub3A_307 = vector.broadcast %max3A_285 : f32 to vector<16xf32>
    %sub3A_308 = arith.subf %div3A_195, %sub3A_307 : vector<16xf32>
    %exp3A_309 = math.exp %sub3A_308 : vector<16xf32>
    %add3A_310 = arith.addf %add3A_306, %exp3A_309 : vector<16xf32>
    %sub3A_311 = vector.broadcast %max3A_285 : f32 to vector<16xf32>
    %sub3A_312 = arith.subf %div3A_202, %sub3A_311 : vector<16xf32>
    %exp3A_313 = math.exp %sub3A_312 : vector<16xf32>
    %add3A_314 = arith.addf %add3A_310, %exp3A_313 : vector<16xf32>
    %sub3A_315 = vector.broadcast %max3A_285 : f32 to vector<16xf32>
    %sub3A_316 = arith.subf %div3A_209, %sub3A_315 : vector<16xf32>
    %exp3A_317 = math.exp %sub3A_316 : vector<16xf32>
    %add3A_318 = arith.addf %add3A_314, %exp3A_317 : vector<16xf32>
    %sub3A_319 = vector.broadcast %max3A_285 : f32 to vector<16xf32>
    %sub3A_320 = arith.subf %div3A_216, %sub3A_319 : vector<16xf32>
    %exp3A_321 = math.exp %sub3A_320 : vector<16xf32>
    %add3A_322 = arith.addf %add3A_318, %exp3A_321 : vector<16xf32>
    %sub3A_323 = vector.broadcast %max3A_285 : f32 to vector<16xf32>
    %sub3A_324 = arith.subf %div3A_223, %sub3A_323 : vector<16xf32>
    %exp3A_325 = math.exp %sub3A_324 : vector<16xf32>
    %add3A_326 = arith.addf %add3A_322, %exp3A_325 : vector<16xf32>
    %sub3A_327 = vector.broadcast %max3A_285 : f32 to vector<16xf32>
    %sub3A_328 = arith.subf %div3A_230, %sub3A_327 : vector<16xf32>
    %exp3A_329 = math.exp %sub3A_328 : vector<16xf32>
    %add3A_330 = arith.addf %add3A_326, %exp3A_329 : vector<16xf32>
    %sub3A_331 = vector.broadcast %max3A_285 : f32 to vector<16xf32>
    %sub3A_332 = arith.subf %select_n3A_239, %sub3A_331 : vector<16xf32>
    %exp3A_333 = math.exp %sub3A_332 : vector<16xf32>
    %add3A_334 = arith.addf %add3A_330, %exp3A_333 : vector<16xf32>
    %slice3A_335 = vector.extract_strided_slice %add3A_334 {offsets = [0], sizes = [1], strides = [1]} : vector<16xf32> to vector<1xf32>
    %squeeze3A_336 = vector.extract %slice3A_335[0] : f32 from vector<1xf32>
    %slice3A_337 = vector.extract_strided_slice %add3A_334 {offsets = [1], sizes = [1], strides = [1]} : vector<16xf32> to vector<1xf32>
    %squeeze3A_338 = vector.extract %slice3A_337[0] : f32 from vector<1xf32>
    %slice3A_339 = vector.extract_strided_slice %add3A_334 {offsets = [2], sizes = [1], strides = [1]} : vector<16xf32> to vector<1xf32>
    %squeeze3A_340 = vector.extract %slice3A_339[0] : f32 from vector<1xf32>
    %slice3A_341 = vector.extract_strided_slice %add3A_334 {offsets = [3], sizes = [1], strides = [1]} : vector<16xf32> to vector<1xf32>
    %squeeze3A_342 = vector.extract %slice3A_341[0] : f32 from vector<1xf32>
    %slice3A_343 = vector.extract_strided_slice %add3A_334 {offsets = [4], sizes = [1], strides = [1]} : vector<16xf32> to vector<1xf32>
    %squeeze3A_344 = vector.extract %slice3A_343[0] : f32 from vector<1xf32>
    %slice3A_345 = vector.extract_strided_slice %add3A_334 {offsets = [5], sizes = [1], strides = [1]} : vector<16xf32> to vector<1xf32>
    %squeeze3A_346 = vector.extract %slice3A_345[0] : f32 from vector<1xf32>
    %slice3A_347 = vector.extract_strided_slice %add3A_334 {offsets = [6], sizes = [1], strides = [1]} : vector<16xf32> to vector<1xf32>
    %squeeze3A_348 = vector.extract %slice3A_347[0] : f32 from vector<1xf32>
    %slice3A_349 = vector.extract_strided_slice %add3A_334 {offsets = [7], sizes = [1], strides = [1]} : vector<16xf32> to vector<1xf32>
    %squeeze3A_350 = vector.extract %slice3A_349[0] : f32 from vector<1xf32>
    %slice3A_351 = vector.extract_strided_slice %add3A_334 {offsets = [8], sizes = [1], strides = [1]} : vector<16xf32> to vector<1xf32>
    %squeeze3A_352 = vector.extract %slice3A_351[0] : f32 from vector<1xf32>
    %slice3A_353 = vector.extract_strided_slice %add3A_334 {offsets = [9], sizes = [1], strides = [1]} : vector<16xf32> to vector<1xf32>
    %squeeze3A_354 = vector.extract %slice3A_353[0] : f32 from vector<1xf32>
    %slice3A_355 = vector.extract_strided_slice %add3A_334 {offsets = [10], sizes = [1], strides = [1]} : vector<16xf32> to vector<1xf32>
    %squeeze3A_356 = vector.extract %slice3A_355[0] : f32 from vector<1xf32>
    %slice3A_357 = vector.extract_strided_slice %add3A_334 {offsets = [11], sizes = [1], strides = [1]} : vector<16xf32> to vector<1xf32>
    %squeeze3A_358 = vector.extract %slice3A_357[0] : f32 from vector<1xf32>
    %slice3A_359 = vector.extract_strided_slice %add3A_334 {offsets = [12], sizes = [1], strides = [1]} : vector<16xf32> to vector<1xf32>
    %squeeze3A_360 = vector.extract %slice3A_359[0] : f32 from vector<1xf32>
    %slice3A_361 = vector.extract_strided_slice %add3A_334 {offsets = [13], sizes = [1], strides = [1]} : vector<16xf32> to vector<1xf32>
    %squeeze3A_362 = vector.extract %slice3A_361[0] : f32 from vector<1xf32>
    %slice3A_363 = vector.extract_strided_slice %add3A_334 {offsets = [14], sizes = [1], strides = [1]} : vector<16xf32> to vector<1xf32>
    %squeeze3A_364 = vector.extract %slice3A_363[0] : f32 from vector<1xf32>
    %slice3A_365 = vector.extract_strided_slice %add3A_334 {offsets = [15], sizes = [1], strides = [1]} : vector<16xf32> to vector<1xf32>
    %squeeze3A_366 = vector.extract %slice3A_365[0] : f32 from vector<1xf32>
    %add3A_367 = arith.addf %squeeze3A_336, %squeeze3A_338 : f32
    %add3A_368 = arith.addf %squeeze3A_340, %squeeze3A_342 : f32
    %add3A_369 = arith.addf %squeeze3A_344, %squeeze3A_346 : f32
    %add3A_370 = arith.addf %squeeze3A_348, %squeeze3A_350 : f32
    %add3A_371 = arith.addf %squeeze3A_352, %squeeze3A_354 : f32
    %add3A_372 = arith.addf %squeeze3A_356, %squeeze3A_358 : f32
    %add3A_373 = arith.addf %squeeze3A_360, %squeeze3A_362 : f32
    %add3A_374 = arith.addf %squeeze3A_364, %squeeze3A_366 : f32
    %add3A_375 = arith.addf %add3A_367, %add3A_368 : f32
    %add3A_376 = arith.addf %add3A_369, %add3A_370 : f32
    %add3A_377 = arith.addf %add3A_371, %add3A_372 : f32
    %add3A_378 = arith.addf %add3A_373, %add3A_374 : f32
    %add3A_379 = arith.addf %add3A_375, %add3A_376 : f32
    %add3A_380 = arith.addf %add3A_377, %add3A_378 : f32
    %add3A_381 = arith.addf %add3A_379, %add3A_380 : f32
    %div3A_382 = vector.broadcast %add3A_381 : f32 to vector<16xf32>
    %div3A_383 = arith.divf %exp3A, %div3A_382 : vector<16xf32>
    %swap3A_384 = arith.constant 0 : index
    %swap3A_385 = tpu.vector_load %arg8[%swap3A_384] {strides = array<i32>} : memref<208xf32, #tpu.memory_space<vmem>>, vector<16xf32>,
    %swap3A_386 = vector.shape_cast %swap3A_385 : vector<16xf32> to vector<16xf32>
    %swap3A_387 = vector.shape_cast %div3A_383 : vector<16xf32> to vector<16xf32>
    tpu.vector_store %arg8[%swap3A_384], %swap3A_387 {strides = array<i32>} : memref<208xf32, #tpu.memory_space<vmem>>, vector<16xf32>,
    %div3A_388 = vector.broadcast %add3A_381 : f32 to vector<16xf32>
    %div3A_389 = arith.divf %exp3A_289, %div3A_388 : vector<16xf32>
    %swap3A_390 = arith.constant 16 : index
    %swap3A_391 = tpu.vector_load %arg8[%swap3A_390] {strides = array<i32>} : memref<208xf32, #tpu.memory_space<vmem>>, vector<16xf32>,
    %swap3A_392 = vector.shape_cast %swap3A_391 : vector<16xf32> to vector<16xf32>
    %swap3A_393 = vector.shape_cast %div3A_389 : vector<16xf32> to vector<16xf32>
    tpu.vector_store %arg8[%swap3A_390], %swap3A_393 {strides = array<i32>} : memref<208xf32, #tpu.memory_space<vmem>>, vector<16xf32>,
    %div3A_394 = vector.broadcast %add3A_381 : f32 to vector<16xf32>
    %div3A_395 = arith.divf %exp3A_293, %div3A_394 : vector<16xf32>
    %swap3A_396 = arith.constant 32 : index
    %swap3A_397 = tpu.vector_load %arg8[%swap3A_396] {strides = array<i32>} : memref<208xf32, #tpu.memory_space<vmem>>, vector<16xf32>,
    %swap3A_398 = vector.shape_cast %swap3A_397 : vector<16xf32> to vector<16xf32>
    %swap3A_399 = vector.shape_cast %div3A_395 : vector<16xf32> to vector<16xf32>
    tpu.vector_store %arg8[%swap3A_396], %swap3A_399 {strides = array<i32>} : memref<208xf32, #tpu.memory_space<vmem>>, vector<16xf32>,
    %div3A_400 = vector.broadcast %add3A_381 : f32 to vector<16xf32>
    %div3A_401 = arith.divf %exp3A_297, %div3A_400 : vector<16xf32>
    %swap3A_402 = arith.constant 48 : index
    %swap3A_403 = tpu.vector_load %arg8[%swap3A_402] {strides = array<i32>} : memref<208xf32, #tpu.memory_space<vmem>>, vector<16xf32>,
    %swap3A_404 = vector.shape_cast %swap3A_403 : vector<16xf32> to vector<16xf32>
    %swap3A_405 = vector.shape_cast %div3A_401 : vector<16xf32> to vector<16xf32>
    tpu.vector_store %arg8[%swap3A_402], %swap3A_405 {strides = array<i32>} : memref<208xf32, #tpu.memory_space<vmem>>, vector<16xf32>,
    %div3A_406 = vector.broadcast %add3A_381 : f32 to vector<16xf32>
    %div3A_407 = arith.divf %exp3A_301, %div3A_406 : vector<16xf32>
    %swap3A_408 = arith.constant 64 : index
    %swap3A_409 = tpu.vector_load %arg8[%swap3A_408] {strides = array<i32>} : memref<208xf32, #tpu.memory_space<vmem>>, vector<16xf32>,
    %swap3A_410 = vector.shape_cast %swap3A_409 : vector<16xf32> to vector<16xf32>
    %swap3A_411 = vector.shape_cast %div3A_407 : vector<16xf32> to vector<16xf32>
    tpu.vector_store %arg8[%swap3A_408], %swap3A_411 {strides = array<i32>} : memref<208xf32, #tpu.memory_space<vmem>>, vector<16xf32>,
    %div3A_412 = vector.broadcast %add3A_381 : f32 to vector<16xf32>
    %div3A_413 = arith.divf %exp3A_305, %div3A_412 : vector<16xf32>
    %swap3A_414 = arith.constant 80 : index
    %swap3A_415 = tpu.vector_load %arg8[%swap3A_414] {strides = array<i32>} : memref<208xf32, #tpu.memory_space<vmem>>, vector<16xf32>,
    %swap3A_416 = vector.shape_cast %swap3A_415 : vector<16xf32> to vector<16xf32>
    %swap3A_417 = vector.shape_cast %div3A_413 : vector<16xf32> to vector<16xf32>
    tpu.vector_store %arg8[%swap3A_414], %swap3A_417 {strides = array<i32>} : memref<208xf32, #tpu.memory_space<vmem>>, vector<16xf32>,
    %div3A_418 = vector.broadcast %add3A_381 : f32 to vector<16xf32>
    %div3A_419 = arith.divf %exp3A_309, %div3A_418 : vector<16xf32>
    %swap3A_420 = arith.constant 96 : index
    %swap3A_421 = tpu.vector_load %arg8[%swap3A_420] {strides = array<i32>} : memref<208xf32, #tpu.memory_space<vmem>>, vector<16xf32>,
    %swap3A_422 = vector.shape_cast %swap3A_421 : vector<16xf32> to vector<16xf32>
    %swap3A_423 = vector.shape_cast %div3A_419 : vector<16xf32> to vector<16xf32>
    tpu.vector_store %arg8[%swap3A_420], %swap3A_423 {strides = array<i32>} : memref<208xf32, #tpu.memory_space<vmem>>, vector<16xf32>,
    %div3A_424 = vector.broadcast %add3A_381 : f32 to vector<16xf32>
    %div3A_425 = arith.divf %exp3A_313, %div3A_424 : vector<16xf32>
    %swap3A_426 = arith.constant 112 : index
    %swap3A_427 = tpu.vector_load %arg8[%swap3A_426] {strides = array<i32>} : memref<208xf32, #tpu.memory_space<vmem>>, vector<16xf32>,
    %swap3A_428 = vector.shape_cast %swap3A_427 : vector<16xf32> to vector<16xf32>
    %swap3A_429 = vector.shape_cast %div3A_425 : vector<16xf32> to vector<16xf32>
    tpu.vector_store %arg8[%swap3A_426], %swap3A_429 {strides = array<i32>} : memref<208xf32, #tpu.memory_space<vmem>>, vector<16xf32>,
    %div3A_430 = vector.broadcast %add3A_381 : f32 to vector<16xf32>
    %div3A_431 = arith.divf %exp3A_317, %div3A_430 : vector<16xf32>
    %swap3A_432 = arith.constant 128 : index
    %swap3A_433 = tpu.vector_load %arg8[%swap3A_432] {strides = array<i32>} : memref<208xf32, #tpu.memory_space<vmem>>, vector<16xf32>,
    %swap3A_434 = vector.shape_cast %swap3A_433 : vector<16xf32> to vector<16xf32>
    %swap3A_435 = vector.shape_cast %div3A_431 : vector<16xf32> to vector<16xf32>
    tpu.vector_store %arg8[%swap3A_432], %swap3A_435 {strides = array<i32>} : memref<208xf32, #tpu.memory_space<vmem>>, vector<16xf32>,
    %div3A_436 = vector.broadcast %add3A_381 : f32 to vector<16xf32>
    %div3A_437 = arith.divf %exp3A_321, %div3A_436 : vector<16xf32>
    %swap3A_438 = arith.constant 144 : index
    %swap3A_439 = tpu.vector_load %arg8[%swap3A_438] {strides = array<i32>} : memref<208xf32, #tpu.memory_space<vmem>>, vector<16xf32>,
    %swap3A_440 = vector.shape_cast %swap3A_439 : vector<16xf32> to vector<16xf32>
    %swap3A_441 = vector.shape_cast %div3A_437 : vector<16xf32> to vector<16xf32>
    tpu.vector_store %arg8[%swap3A_438], %swap3A_441 {strides = array<i32>} : memref<208xf32, #tpu.memory_space<vmem>>, vector<16xf32>,
    %div3A_442 = vector.broadcast %add3A_381 : f32 to vector<16xf32>
    %div3A_443 = arith.divf %exp3A_325, %div3A_442 : vector<16xf32>
    %swap3A_444 = arith.constant 160 : index
    %swap3A_445 = tpu.vector_load %arg8[%swap3A_444] {strides = array<i32>} : memref<208xf32, #tpu.memory_space<vmem>>, vector<16xf32>,
    %swap3A_446 = vector.shape_cast %swap3A_445 : vector<16xf32> to vector<16xf32>
    %swap3A_447 = vector.shape_cast %div3A_443 : vector<16xf32> to vector<16xf32>
    tpu.vector_store %arg8[%swap3A_444], %swap3A_447 {strides = array<i32>} : memref<208xf32, #tpu.memory_space<vmem>>, vector<16xf32>,
    %div3A_448 = vector.broadcast %add3A_381 : f32 to vector<16xf32>
    %div3A_449 = arith.divf %exp3A_329, %div3A_448 : vector<16xf32>
    %swap3A_450 = arith.constant 176 : index
    %swap3A_451 = tpu.vector_load %arg8[%swap3A_450] {strides = array<i32>} : memref<208xf32, #tpu.memory_space<vmem>>, vector<16xf32>,
    %swap3A_452 = vector.shape_cast %swap3A_451 : vector<16xf32> to vector<16xf32>
    %swap3A_453 = vector.shape_cast %div3A_449 : vector<16xf32> to vector<16xf32>
    tpu.vector_store %arg8[%swap3A_450], %swap3A_453 {strides = array<i32>} : memref<208xf32, #tpu.memory_space<vmem>>, vector<16xf32>,
    %div3A_454 = vector.broadcast %add3A_381 : f32 to vector<16xf32>
    %div3A_455 = arith.divf %exp3A_333, %div3A_454 : vector<16xf32>
    %swap3A_456 = arith.constant 192 : index
    %swap3A_457 = tpu.vector_load %arg8[%swap3A_456] {strides = array<i32>} : memref<208xf32, #tpu.memory_space<vmem>>, vector<16xf32>,
    %swap3A_458 = vector.shape_cast %swap3A_457 : vector<16xf32> to vector<16xf32>
    %swap3A_459 = vector.shape_cast %div3A_455 : vector<16xf32> to vector<16xf32>
    tpu.vector_store %arg8[%swap3A_456], %swap3A_459 {strides = array<i32>} : memref<208xf32, #tpu.memory_space<vmem>>, vector<16xf32>,
    %mul3A_460 = arith.constant 200 : i32
    %mul3A_461 = arith.muli %add3A, %mul3A_460 : i32
    "tpu.region"() ({
      %run_scoped3A = tpu.sem_alloc : memref<!tpu.dma_semaphore, #tpu.memory_space<semaphore_mem>>
      %dma_start3A_467 = arith.constant 0 : i32
      %dma_start3A_468 = tpu.memref_slice %arg8[%dma_start3A_467] : memref<208xf32, #tpu.memory_space<vmem>> -> memref<200xf32, #tpu.memory_space<vmem>>
      %dma_start3A_469 = tpu.memref_slice %arg4[%mul3A_461] : memref<10000xf32, #tpu.memory_space<hbm>> -> memref<200xf32, #tpu.memory_space<hbm>>
      %dma_start3A_470 = tpu.memref_slice %arg4[%mul3A_461] : memref<10000xf32, #tpu.memory_space<hbm>> -> memref<200xf32, #tpu.memory_space<hbm>>
      %dma_start3A_471 = arith.constant 0 : i32
      %dma_start3A_472 = tpu.memref_slice %arg8[%dma_start3A_471] : memref<208xf32, #tpu.memory_space<vmem>> -> memref<200xf32, #tpu.memory_space<vmem>>
      tpu.enqueue_dma source(%dma_start3A_472 : memref<200xf32, #tpu.memory_space<vmem>>) target(%dma_start3A_470 : memref<200xf32, #tpu.memory_space<hbm>>) target_semaphore(%run_scoped3A : memref<!tpu.dma_semaphore, #tpu.memory_space<semaphore_mem>>)
      %dma_wait3A_473 = arith.constant 0 : i32
      %dma_wait3A_474 = tpu.memref_slice %arg8[%dma_wait3A_473] : memref<208xf32, #tpu.memory_space<vmem>> -> memref<200xf32, #tpu.memory_space<vmem>>
      %dma_wait3A_475 = tpu.memref_slice %arg4[%mul3A_461] : memref<10000xf32, #tpu.memory_space<hbm>> -> memref<200xf32, #tpu.memory_space<hbm>>
      %dma_wait3A_476 = tpu.memref_slice %arg4[%mul3A_461] : memref<10000xf32, #tpu.memory_space<hbm>> -> memref<200xf32, #tpu.memory_space<hbm>>
      %dma_wait3A_477 = arith.constant 0 : i32
      %dma_wait3A_478 = tpu.memref_slice %arg8[%dma_wait3A_477] : memref<208xf32, #tpu.memory_space<vmem>> -> memref<200xf32, #tpu.memory_space<vmem>>
      tpu.wait_dma2 semaphore(%run_scoped3A : memref<!tpu.dma_semaphore, #tpu.memory_space<semaphore_mem>>) src(%dma_wait3A_478 : memref<200xf32, #tpu.memory_space<vmem>>) dst(%dma_wait3A_476 : memref<200xf32, #tpu.memory_space<hbm>>)
      tpu.yield
    }) : () -> ()
    %lt3A_462 = arith.constant 50 : i32
    %lt3A_463 = arith.cmpi slt, %add3A_2, %lt3A_462 : i32
    %convert_element_type3A_464 = arith.extui %lt3A_463 : i1 to i32
    %cond3A_465 = arith.constant 0 : i32
    %cond3A_466 = arith.cmpi ne, %convert_element_type3A_464, %cond3A_465 : i32
    scf.if %cond3A_466 {
      %dma_wait3A_467 = arith.constant 208 : i32
      %dma_wait3A_468 = tpu.memref_slice %arg7[%dma_wait3A_467] : memref<416xf32, #tpu.memory_space<vmem>> -> memref<104xf32, #tpu.memory_space<vmem>>
      %dma_wait3A_469 = arith.constant 208 : i32
      %dma_wait3A_470 = tpu.memref_slice %arg6[%dma_wait3A_469] : memref<416xi32, #tpu.memory_space<vmem>> -> memref<104xi32, #tpu.memory_space<vmem>>
      %dma_wait3A_471 = arith.constant 0 : i32
      %dma_wait3A_472 = tpu.memref_slice %arg3[%dma_wait3A_471] : memref<566272xf32, #tpu.memory_space<hbm>> -> memref<566272xf32, #tpu.memory_space<hbm>>
      tpu.wait_indirect_dma semaphore(%arg10 : memref<!tpu.dma_semaphore, #tpu.memory_space<semaphore_mem>>) src(%dma_wait3A_472 : memref<566272xf32, #tpu.memory_space<hbm>>) dst(%dma_wait3A_468 : memref<104xf32, #tpu.memory_space<vmem>>)
      %dma_wait3A_473 = arith.constant 312 : i32
      %dma_wait3A_474 = tpu.memref_slice %arg7[%dma_wait3A_473] : memref<416xf32, #tpu.memory_space<vmem>> -> memref<104xf32, #tpu.memory_space<vmem>>
      %dma_wait3A_475 = arith.constant 312 : i32
      %dma_wait3A_476 = tpu.memref_slice %arg6[%dma_wait3A_475] : memref<416xi32, #tpu.memory_space<vmem>> -> memref<104xi32, #tpu.memory_space<vmem>>
      %dma_wait3A_477 = arith.constant 0 : i32
      %dma_wait3A_478 = tpu.memref_slice %arg3[%dma_wait3A_477] : memref<566272xf32, #tpu.memory_space<hbm>> -> memref<566272xf32, #tpu.memory_space<hbm>>
      tpu.wait_indirect_dma semaphore(%arg10 : memref<!tpu.dma_semaphore, #tpu.memory_space<semaphore_mem>>) src(%dma_wait3A_478 : memref<566272xf32, #tpu.memory_space<hbm>>) dst(%dma_wait3A_474 : memref<104xf32, #tpu.memory_space<vmem>>)
      %iota3A_479 = tpu.iota {dimensions = array<i32: 0>} : vector<16xi32>
      %lt3A_480 = arith.constant 8 : i32
      %lt3A_481 = vector.broadcast %lt3A_480 : i32 to vector<16xi32>
      %lt3A_482 = arith.cmpi slt, %iota3A_479, %lt3A_481 : vector<16xi32>
      %get3A_483 = arith.constant 208 : index
      %get3A_484 = tpu.vector_load %arg7[%get3A_483] {strides = array<i32>} : memref<416xf32, #tpu.memory_space<vmem>>, vector<16xf32>,
      %get3A_485 = vector.shape_cast %get3A_484 : vector<16xf32> to vector<16xf32>
      %div3A_486 = arith.constant 1.000000e+00 : f32
      %div3A_487 = vector.broadcast %div3A_486 : f32 to vector<16xf32>
      %div3A_488 = arith.divf %div3A_487, %get3A_485 : vector<16xf32>
      %get3A_489 = arith.constant 224 : index
      %get3A_490 = tpu.vector_load %arg7[%get3A_489] {strides = array<i32>} : memref<416xf32, #tpu.memory_space<vmem>>, vector<16xf32>,
      %get3A_491 = vector.shape_cast %get3A_490 : vector<16xf32> to vector<16xf32>
      %div3A_492 = arith.constant 1.000000e+00 : f32
      %div3A_493 = vector.broadcast %div3A_492 : f32 to vector<16xf32>
      %div3A_494 = arith.divf %div3A_493, %get3A_491 : vector<16xf32>
      %max3A_495 = arith.maximumf %div3A_488, %div3A_494 : vector<16xf32>
      %get3A_496 = arith.constant 240 : index
      %get3A_497 = tpu.vector_load %arg7[%get3A_496] {strides = array<i32>} : memref<416xf32, #tpu.memory_space<vmem>>, vector<16xf32>,
      %get3A_498 = vector.shape_cast %get3A_497 : vector<16xf32> to vector<16xf32>
      %div3A_499 = arith.constant 1.000000e+00 : f32
      %div3A_500 = vector.broadcast %div3A_499 : f32 to vector<16xf32>
      %div3A_501 = arith.divf %div3A_500, %get3A_498 : vector<16xf32>
      %max3A_502 = arith.maximumf %max3A_495, %div3A_501 : vector<16xf32>
      %get3A_503 = arith.constant 256 : index
      %get3A_504 = tpu.vector_load %arg7[%get3A_503] {strides = array<i32>} : memref<416xf32, #tpu.memory_space<vmem>>, vector<16xf32>,
      %get3A_505 = vector.shape_cast %get3A_504 : vector<16xf32> to vector<16xf32>
      %div3A_506 = arith.constant 1.000000e+00 : f32
      %div3A_507 = vector.broadcast %div3A_506 : f32 to vector<16xf32>
      %div3A_508 = arith.divf %div3A_507, %get3A_505 : vector<16xf32>
      %max3A_509 = arith.maximumf %max3A_502, %div3A_508 : vector<16xf32>
      %get3A_510 = arith.constant 272 : index
      %get3A_511 = tpu.vector_load %arg7[%get3A_510] {strides = array<i32>} : memref<416xf32, #tpu.memory_space<vmem>>, vector<16xf32>,
      %get3A_512 = vector.shape_cast %get3A_511 : vector<16xf32> to vector<16xf32>
      %div3A_513 = arith.constant 1.000000e+00 : f32
      %div3A_514 = vector.broadcast %div3A_513 : f32 to vector<16xf32>
      %div3A_515 = arith.divf %div3A_514, %get3A_512 : vector<16xf32>
      %max3A_516 = arith.maximumf %max3A_509, %div3A_515 : vector<16xf32>
      %get3A_517 = arith.constant 288 : index
      %get3A_518 = tpu.vector_load %arg7[%get3A_517] {strides = array<i32>} : memref<416xf32, #tpu.memory_space<vmem>>, vector<16xf32>,
      %get3A_519 = vector.shape_cast %get3A_518 : vector<16xf32> to vector<16xf32>
      %div3A_520 = arith.constant 1.000000e+00 : f32
      %div3A_521 = vector.broadcast %div3A_520 : f32 to vector<16xf32>
      %div3A_522 = arith.divf %div3A_521, %get3A_519 : vector<16xf32>
      %max3A_523 = arith.maximumf %max3A_516, %div3A_522 : vector<16xf32>
      %get3A_524 = arith.constant 304 : index
      %get3A_525 = tpu.vector_load %arg7[%get3A_524] {strides = array<i32>} : memref<416xf32, #tpu.memory_space<vmem>>, vector<16xf32>,
      %get3A_526 = vector.shape_cast %get3A_525 : vector<16xf32> to vector<16xf32>
      %div3A_527 = arith.constant 1.000000e+00 : f32
      %div3A_528 = vector.broadcast %div3A_527 : f32 to vector<16xf32>
      %div3A_529 = arith.divf %div3A_528, %get3A_526 : vector<16xf32>
      %max3A_530 = arith.maximumf %max3A_523, %div3A_529 : vector<16xf32>
      %get3A_531 = arith.constant 320 : index
      %get3A_532 = tpu.vector_load %arg7[%get3A_531] {strides = array<i32>} : memref<416xf32, #tpu.memory_space<vmem>>, vector<16xf32>,
      %get3A_533 = vector.shape_cast %get3A_532 : vector<16xf32> to vector<16xf32>
      %div3A_534 = arith.constant 1.000000e+00 : f32
      %div3A_535 = vector.broadcast %div3A_534 : f32 to vector<16xf32>
      %div3A_536 = arith.divf %div3A_535, %get3A_533 : vector<16xf32>
      %max3A_537 = arith.maximumf %max3A_530, %div3A_536 : vector<16xf32>
      %get3A_538 = arith.constant 336 : index
      %get3A_539 = tpu.vector_load %arg7[%get3A_538] {strides = array<i32>} : memref<416xf32, #tpu.memory_space<vmem>>, vector<16xf32>,
      %get3A_540 = vector.shape_cast %get3A_539 : vector<16xf32> to vector<16xf32>
      %div3A_541 = arith.constant 1.000000e+00 : f32
      %div3A_542 = vector.broadcast %div3A_541 : f32 to vector<16xf32>
      %div3A_543 = arith.divf %div3A_542, %get3A_540 : vector<16xf32>
      %max3A_544 = arith.maximumf %max3A_537, %div3A_543 : vector<16xf32>
      %get3A_545 = arith.constant 352 : index
      %get3A_546 = tpu.vector_load %arg7[%get3A_545] {strides = array<i32>} : memref<416xf32, #tpu.memory_space<vmem>>, vector<16xf32>,
      %get3A_547 = vector.shape_cast %get3A_546 : vector<16xf32> to vector<16xf32>
      %div3A_548 = arith.constant 1.000000e+00 : f32
      %div3A_549 = vector.broadcast %div3A_548 : f32 to vector<16xf32>
      %div3A_550 = arith.divf %div3A_549, %get3A_547 : vector<16xf32>
      %max3A_551 = arith.maximumf %max3A_544, %div3A_550 : vector<16xf32>
      %get3A_552 = arith.constant 368 : index
      %get3A_553 = tpu.vector_load %arg7[%get3A_552] {strides = array<i32>} : memref<416xf32, #tpu.memory_space<vmem>>, vector<16xf32>,
      %get3A_554 = vector.shape_cast %get3A_553 : vector<16xf32> to vector<16xf32>
      %div3A_555 = arith.constant 1.000000e+00 : f32
      %div3A_556 = vector.broadcast %div3A_555 : f32 to vector<16xf32>
      %div3A_557 = arith.divf %div3A_556, %get3A_554 : vector<16xf32>
      %max3A_558 = arith.maximumf %max3A_551, %div3A_557 : vector<16xf32>
      %get3A_559 = arith.constant 384 : index
      %get3A_560 = tpu.vector_load %arg7[%get3A_559] {strides = array<i32>} : memref<416xf32, #tpu.memory_space<vmem>>, vector<16xf32>,
      %get3A_561 = vector.shape_cast %get3A_560 : vector<16xf32> to vector<16xf32>
      %div3A_562 = arith.constant 1.000000e+00 : f32
      %div3A_563 = vector.broadcast %div3A_562 : f32 to vector<16xf32>
      %div3A_564 = arith.divf %div3A_563, %get3A_561 : vector<16xf32>
      %max3A_565 = arith.maximumf %max3A_558, %div3A_564 : vector<16xf32>
      %get3A_566 = arith.constant 400 : index
      %get3A_567 = tpu.vector_load %arg7[%get3A_566] {strides = array<i32>} : memref<416xf32, #tpu.memory_space<vmem>>, vector<16xf32>,
      %get3A_568 = vector.shape_cast %get3A_567 : vector<16xf32> to vector<16xf32>
      %div3A_569 = arith.constant 1.000000e+00 : f32
      %div3A_570 = vector.broadcast %div3A_569 : f32 to vector<16xf32>
      %div3A_571 = arith.divf %div3A_570, %get3A_568 : vector<16xf32>
      %jit3A_572 = arith.constant 0xFF800000 : f32
      %broadcast_in_dim3A_573 = vector.broadcast %jit3A_572 : f32 to vector<16xf32>
      %select_n3A_574 = arith.select %lt3A_482, %div3A_571, %broadcast_in_dim3A_573 : vector<16xi1>, vector<16xf32>
      %max3A_575 = arith.maximumf %max3A_565, %select_n3A_574 : vector<16xf32>
      %slice3A_576 = vector.extract_strided_slice %max3A_575 {offsets = [0], sizes = [1], strides = [1]} : vector<16xf32> to vector<1xf32>
      %squeeze3A_577 = vector.extract %slice3A_576[0] : f32 from vector<1xf32>
      %slice3A_578 = vector.extract_strided_slice %max3A_575 {offsets = [1], sizes = [1], strides = [1]} : vector<16xf32> to vector<1xf32>
      %squeeze3A_579 = vector.extract %slice3A_578[0] : f32 from vector<1xf32>
      %slice3A_580 = vector.extract_strided_slice %max3A_575 {offsets = [2], sizes = [1], strides = [1]} : vector<16xf32> to vector<1xf32>
      %squeeze3A_581 = vector.extract %slice3A_580[0] : f32 from vector<1xf32>
      %slice3A_582 = vector.extract_strided_slice %max3A_575 {offsets = [3], sizes = [1], strides = [1]} : vector<16xf32> to vector<1xf32>
      %squeeze3A_583 = vector.extract %slice3A_582[0] : f32 from vector<1xf32>
      %slice3A_584 = vector.extract_strided_slice %max3A_575 {offsets = [4], sizes = [1], strides = [1]} : vector<16xf32> to vector<1xf32>
      %squeeze3A_585 = vector.extract %slice3A_584[0] : f32 from vector<1xf32>
      %slice3A_586 = vector.extract_strided_slice %max3A_575 {offsets = [5], sizes = [1], strides = [1]} : vector<16xf32> to vector<1xf32>
      %squeeze3A_587 = vector.extract %slice3A_586[0] : f32 from vector<1xf32>
      %slice3A_588 = vector.extract_strided_slice %max3A_575 {offsets = [6], sizes = [1], strides = [1]} : vector<16xf32> to vector<1xf32>
      %squeeze3A_589 = vector.extract %slice3A_588[0] : f32 from vector<1xf32>
      %slice3A_590 = vector.extract_strided_slice %max3A_575 {offsets = [7], sizes = [1], strides = [1]} : vector<16xf32> to vector<1xf32>
      %squeeze3A_591 = vector.extract %slice3A_590[0] : f32 from vector<1xf32>
      %slice3A_592 = vector.extract_strided_slice %max3A_575 {offsets = [8], sizes = [1], strides = [1]} : vector<16xf32> to vector<1xf32>
      %squeeze3A_593 = vector.extract %slice3A_592[0] : f32 from vector<1xf32>
      %slice3A_594 = vector.extract_strided_slice %max3A_575 {offsets = [9], sizes = [1], strides = [1]} : vector<16xf32> to vector<1xf32>
      %squeeze3A_595 = vector.extract %slice3A_594[0] : f32 from vector<1xf32>
      %slice3A_596 = vector.extract_strided_slice %max3A_575 {offsets = [10], sizes = [1], strides = [1]} : vector<16xf32> to vector<1xf32>
      %squeeze3A_597 = vector.extract %slice3A_596[0] : f32 from vector<1xf32>
      %slice3A_598 = vector.extract_strided_slice %max3A_575 {offsets = [11], sizes = [1], strides = [1]} : vector<16xf32> to vector<1xf32>
      %squeeze3A_599 = vector.extract %slice3A_598[0] : f32 from vector<1xf32>
      %slice3A_600 = vector.extract_strided_slice %max3A_575 {offsets = [12], sizes = [1], strides = [1]} : vector<16xf32> to vector<1xf32>
      %squeeze3A_601 = vector.extract %slice3A_600[0] : f32 from vector<1xf32>
      %slice3A_602 = vector.extract_strided_slice %max3A_575 {offsets = [13], sizes = [1], strides = [1]} : vector<16xf32> to vector<1xf32>
      %squeeze3A_603 = vector.extract %slice3A_602[0] : f32 from vector<1xf32>
      %slice3A_604 = vector.extract_strided_slice %max3A_575 {offsets = [14], sizes = [1], strides = [1]} : vector<16xf32> to vector<1xf32>
      %squeeze3A_605 = vector.extract %slice3A_604[0] : f32 from vector<1xf32>
      %slice3A_606 = vector.extract_strided_slice %max3A_575 {offsets = [15], sizes = [1], strides = [1]} : vector<16xf32> to vector<1xf32>
      %squeeze3A_607 = vector.extract %slice3A_606[0] : f32 from vector<1xf32>
      %max3A_608 = arith.maximumf %squeeze3A_577, %squeeze3A_579 : f32
      %max3A_609 = arith.maximumf %squeeze3A_581, %squeeze3A_583 : f32
      %max3A_610 = arith.maximumf %squeeze3A_585, %squeeze3A_587 : f32
      %max3A_611 = arith.maximumf %squeeze3A_589, %squeeze3A_591 : f32
      %max3A_612 = arith.maximumf %squeeze3A_593, %squeeze3A_595 : f32
      %max3A_613 = arith.maximumf %squeeze3A_597, %squeeze3A_599 : f32
      %max3A_614 = arith.maximumf %squeeze3A_601, %squeeze3A_603 : f32
      %max3A_615 = arith.maximumf %squeeze3A_605, %squeeze3A_607 : f32
      %max3A_616 = arith.maximumf %max3A_608, %max3A_609 : f32
      %max3A_617 = arith.maximumf %max3A_610, %max3A_611 : f32
      %max3A_618 = arith.maximumf %max3A_612, %max3A_613 : f32
      %max3A_619 = arith.maximumf %max3A_614, %max3A_615 : f32
      %max3A_620 = arith.maximumf %max3A_616, %max3A_617 : f32
      %max3A_621 = arith.maximumf %max3A_618, %max3A_619 : f32
      %max3A_622 = arith.maximumf %max3A_620, %max3A_621 : f32
      %sub3A_623 = vector.broadcast %max3A_622 : f32 to vector<16xf32>
      %sub3A_624 = arith.subf %div3A_488, %sub3A_623 : vector<16xf32>
      %exp3A_625 = math.exp %sub3A_624 : vector<16xf32>
      %sub3A_626 = vector.broadcast %max3A_622 : f32 to vector<16xf32>
      %sub3A_627 = arith.subf %div3A_494, %sub3A_626 : vector<16xf32>
      %exp3A_628 = math.exp %sub3A_627 : vector<16xf32>
      %add3A_629 = arith.addf %exp3A_625, %exp3A_628 : vector<16xf32>
      %sub3A_630 = vector.broadcast %max3A_622 : f32 to vector<16xf32>
      %sub3A_631 = arith.subf %div3A_501, %sub3A_630 : vector<16xf32>
      %exp3A_632 = math.exp %sub3A_631 : vector<16xf32>
      %add3A_633 = arith.addf %add3A_629, %exp3A_632 : vector<16xf32>
      %sub3A_634 = vector.broadcast %max3A_622 : f32 to vector<16xf32>
      %sub3A_635 = arith.subf %div3A_508, %sub3A_634 : vector<16xf32>
      %exp3A_636 = math.exp %sub3A_635 : vector<16xf32>
      %add3A_637 = arith.addf %add3A_633, %exp3A_636 : vector<16xf32>
      %sub3A_638 = vector.broadcast %max3A_622 : f32 to vector<16xf32>
      %sub3A_639 = arith.subf %div3A_515, %sub3A_638 : vector<16xf32>
      %exp3A_640 = math.exp %sub3A_639 : vector<16xf32>
      %add3A_641 = arith.addf %add3A_637, %exp3A_640 : vector<16xf32>
      %sub3A_642 = vector.broadcast %max3A_622 : f32 to vector<16xf32>
      %sub3A_643 = arith.subf %div3A_522, %sub3A_642 : vector<16xf32>
      %exp3A_644 = math.exp %sub3A_643 : vector<16xf32>
      %add3A_645 = arith.addf %add3A_641, %exp3A_644 : vector<16xf32>
      %sub3A_646 = vector.broadcast %max3A_622 : f32 to vector<16xf32>
      %sub3A_647 = arith.subf %div3A_529, %sub3A_646 : vector<16xf32>
      %exp3A_648 = math.exp %sub3A_647 : vector<16xf32>
      %add3A_649 = arith.addf %add3A_645, %exp3A_648 : vector<16xf32>
      %sub3A_650 = vector.broadcast %max3A_622 : f32 to vector<16xf32>
      %sub3A_651 = arith.subf %div3A_536, %sub3A_650 : vector<16xf32>
      %exp3A_652 = math.exp %sub3A_651 : vector<16xf32>
      %add3A_653 = arith.addf %add3A_649, %exp3A_652 : vector<16xf32>
      %sub3A_654 = vector.broadcast %max3A_622 : f32 to vector<16xf32>
      %sub3A_655 = arith.subf %div3A_543, %sub3A_654 : vector<16xf32>
      %exp3A_656 = math.exp %sub3A_655 : vector<16xf32>
      %add3A_657 = arith.addf %add3A_653, %exp3A_656 : vector<16xf32>
      %sub3A_658 = vector.broadcast %max3A_622 : f32 to vector<16xf32>
      %sub3A_659 = arith.subf %div3A_550, %sub3A_658 : vector<16xf32>
      %exp3A_660 = math.exp %sub3A_659 : vector<16xf32>
      %add3A_661 = arith.addf %add3A_657, %exp3A_660 : vector<16xf32>
      %sub3A_662 = vector.broadcast %max3A_622 : f32 to vector<16xf32>
      %sub3A_663 = arith.subf %div3A_557, %sub3A_662 : vector<16xf32>
      %exp3A_664 = math.exp %sub3A_663 : vector<16xf32>
      %add3A_665 = arith.addf %add3A_661, %exp3A_664 : vector<16xf32>
      %sub3A_666 = vector.broadcast %max3A_622 : f32 to vector<16xf32>
      %sub3A_667 = arith.subf %div3A_564, %sub3A_666 : vector<16xf32>
      %exp3A_668 = math.exp %sub3A_667 : vector<16xf32>
      %add3A_669 = arith.addf %add3A_665, %exp3A_668 : vector<16xf32>
      %sub3A_670 = vector.broadcast %max3A_622 : f32 to vector<16xf32>
      %sub3A_671 = arith.subf %select_n3A_574, %sub3A_670 : vector<16xf32>
      %exp3A_672 = math.exp %sub3A_671 : vector<16xf32>
      %add3A_673 = arith.addf %add3A_669, %exp3A_672 : vector<16xf32>
      %slice3A_674 = vector.extract_strided_slice %add3A_673 {offsets = [0], sizes = [1], strides = [1]} : vector<16xf32> to vector<1xf32>
      %squeeze3A_675 = vector.extract %slice3A_674[0] : f32 from vector<1xf32>
      %slice3A_676 = vector.extract_strided_slice %add3A_673 {offsets = [1], sizes = [1], strides = [1]} : vector<16xf32> to vector<1xf32>
      %squeeze3A_677 = vector.extract %slice3A_676[0] : f32 from vector<1xf32>
      %slice3A_678 = vector.extract_strided_slice %add3A_673 {offsets = [2], sizes = [1], strides = [1]} : vector<16xf32> to vector<1xf32>
      %squeeze3A_679 = vector.extract %slice3A_678[0] : f32 from vector<1xf32>
      %slice3A_680 = vector.extract_strided_slice %add3A_673 {offsets = [3], sizes = [1], strides = [1]} : vector<16xf32> to vector<1xf32>
      %squeeze3A_681 = vector.extract %slice3A_680[0] : f32 from vector<1xf32>
      %slice3A_682 = vector.extract_strided_slice %add3A_673 {offsets = [4], sizes = [1], strides = [1]} : vector<16xf32> to vector<1xf32>
      %squeeze3A_683 = vector.extract %slice3A_682[0] : f32 from vector<1xf32>
      %slice3A_684 = vector.extract_strided_slice %add3A_673 {offsets = [5], sizes = [1], strides = [1]} : vector<16xf32> to vector<1xf32>
      %squeeze3A_685 = vector.extract %slice3A_684[0] : f32 from vector<1xf32>
      %slice3A_686 = vector.extract_strided_slice %add3A_673 {offsets = [6], sizes = [1], strides = [1]} : vector<16xf32> to vector<1xf32>
      %squeeze3A_687 = vector.extract %slice3A_686[0] : f32 from vector<1xf32>
      %slice3A_688 = vector.extract_strided_slice %add3A_673 {offsets = [7], sizes = [1], strides = [1]} : vector<16xf32> to vector<1xf32>
      %squeeze3A_689 = vector.extract %slice3A_688[0] : f32 from vector<1xf32>
      %slice3A_690 = vector.extract_strided_slice %add3A_673 {offsets = [8], sizes = [1], strides = [1]} : vector<16xf32> to vector<1xf32>
      %squeeze3A_691 = vector.extract %slice3A_690[0] : f32 from vector<1xf32>
      %slice3A_692 = vector.extract_strided_slice %add3A_673 {offsets = [9], sizes = [1], strides = [1]} : vector<16xf32> to vector<1xf32>
      %squeeze3A_693 = vector.extract %slice3A_692[0] : f32 from vector<1xf32>
      %slice3A_694 = vector.extract_strided_slice %add3A_673 {offsets = [10], sizes = [1], strides = [1]} : vector<16xf32> to vector<1xf32>
      %squeeze3A_695 = vector.extract %slice3A_694[0] : f32 from vector<1xf32>
      %slice3A_696 = vector.extract_strided_slice %add3A_673 {offsets = [11], sizes = [1], strides = [1]} : vector<16xf32> to vector<1xf32>
      %squeeze3A_697 = vector.extract %slice3A_696[0] : f32 from vector<1xf32>
      %slice3A_698 = vector.extract_strided_slice %add3A_673 {offsets = [12], sizes = [1], strides = [1]} : vector<16xf32> to vector<1xf32>
      %squeeze3A_699 = vector.extract %slice3A_698[0] : f32 from vector<1xf32>
      %slice3A_700 = vector.extract_strided_slice %add3A_673 {offsets = [13], sizes = [1], strides = [1]} : vector<16xf32> to vector<1xf32>
      %squeeze3A_701 = vector.extract %slice3A_700[0] : f32 from vector<1xf32>
      %slice3A_702 = vector.extract_strided_slice %add3A_673 {offsets = [14], sizes = [1], strides = [1]} : vector<16xf32> to vector<1xf32>
      %squeeze3A_703 = vector.extract %slice3A_702[0] : f32 from vector<1xf32>
      %slice3A_704 = vector.extract_strided_slice %add3A_673 {offsets = [15], sizes = [1], strides = [1]} : vector<16xf32> to vector<1xf32>
      %squeeze3A_705 = vector.extract %slice3A_704[0] : f32 from vector<1xf32>
      %add3A_706 = arith.addf %squeeze3A_675, %squeeze3A_677 : f32
      %add3A_707 = arith.addf %squeeze3A_679, %squeeze3A_681 : f32
      %add3A_708 = arith.addf %squeeze3A_683, %squeeze3A_685 : f32
      %add3A_709 = arith.addf %squeeze3A_687, %squeeze3A_689 : f32
      %add3A_710 = arith.addf %squeeze3A_691, %squeeze3A_693 : f32
      %add3A_711 = arith.addf %squeeze3A_695, %squeeze3A_697 : f32
      %add3A_712 = arith.addf %squeeze3A_699, %squeeze3A_701 : f32
      %add3A_713 = arith.addf %squeeze3A_703, %squeeze3A_705 : f32
      %add3A_714 = arith.addf %add3A_706, %add3A_707 : f32
      %add3A_715 = arith.addf %add3A_708, %add3A_709 : f32
      %add3A_716 = arith.addf %add3A_710, %add3A_711 : f32
      %add3A_717 = arith.addf %add3A_712, %add3A_713 : f32
      %add3A_718 = arith.addf %add3A_714, %add3A_715 : f32
      %add3A_719 = arith.addf %add3A_716, %add3A_717 : f32
      %add3A_720 = arith.addf %add3A_718, %add3A_719 : f32
      %div3A_721 = vector.broadcast %add3A_720 : f32 to vector<16xf32>
      %div3A_722 = arith.divf %exp3A_625, %div3A_721 : vector<16xf32>
      %swap3A_723 = arith.constant 0 : index
      %swap3A_724 = tpu.vector_load %arg8[%swap3A_723] {strides = array<i32>} : memref<208xf32, #tpu.memory_space<vmem>>, vector<16xf32>,
      %swap3A_725 = vector.shape_cast %swap3A_724 : vector<16xf32> to vector<16xf32>
      %swap3A_726 = vector.shape_cast %div3A_722 : vector<16xf32> to vector<16xf32>
      tpu.vector_store %arg8[%swap3A_723], %swap3A_726 {strides = array<i32>} : memref<208xf32, #tpu.memory_space<vmem>>, vector<16xf32>,
      %div3A_727 = vector.broadcast %add3A_720 : f32 to vector<16xf32>
      %div3A_728 = arith.divf %exp3A_628, %div3A_727 : vector<16xf32>
      %swap3A_729 = arith.constant 16 : index
      %swap3A_730 = tpu.vector_load %arg8[%swap3A_729] {strides = array<i32>} : memref<208xf32, #tpu.memory_space<vmem>>, vector<16xf32>,
      %swap3A_731 = vector.shape_cast %swap3A_730 : vector<16xf32> to vector<16xf32>
      %swap3A_732 = vector.shape_cast %div3A_728 : vector<16xf32> to vector<16xf32>
      tpu.vector_store %arg8[%swap3A_729], %swap3A_732 {strides = array<i32>} : memref<208xf32, #tpu.memory_space<vmem>>, vector<16xf32>,
      %div3A_733 = vector.broadcast %add3A_720 : f32 to vector<16xf32>
      %div3A_734 = arith.divf %exp3A_632, %div3A_733 : vector<16xf32>
      %swap3A_735 = arith.constant 32 : index
      %swap3A_736 = tpu.vector_load %arg8[%swap3A_735] {strides = array<i32>} : memref<208xf32, #tpu.memory_space<vmem>>, vector<16xf32>,
      %swap3A_737 = vector.shape_cast %swap3A_736 : vector<16xf32> to vector<16xf32>
      %swap3A_738 = vector.shape_cast %div3A_734 : vector<16xf32> to vector<16xf32>
      tpu.vector_store %arg8[%swap3A_735], %swap3A_738 {strides = array<i32>} : memref<208xf32, #tpu.memory_space<vmem>>, vector<16xf32>,
      %div3A_739 = vector.broadcast %add3A_720 : f32 to vector<16xf32>
      %div3A_740 = arith.divf %exp3A_636, %div3A_739 : vector<16xf32>
      %swap3A_741 = arith.constant 48 : index
      %swap3A_742 = tpu.vector_load %arg8[%swap3A_741] {strides = array<i32>} : memref<208xf32, #tpu.memory_space<vmem>>, vector<16xf32>,
      %swap3A_743 = vector.shape_cast %swap3A_742 : vector<16xf32> to vector<16xf32>
      %swap3A_744 = vector.shape_cast %div3A_740 : vector<16xf32> to vector<16xf32>
      tpu.vector_store %arg8[%swap3A_741], %swap3A_744 {strides = array<i32>} : memref<208xf32, #tpu.memory_space<vmem>>, vector<16xf32>,
      %div3A_745 = vector.broadcast %add3A_720 : f32 to vector<16xf32>
      %div3A_746 = arith.divf %exp3A_640, %div3A_745 : vector<16xf32>
      %swap3A_747 = arith.constant 64 : index
      %swap3A_748 = tpu.vector_load %arg8[%swap3A_747] {strides = array<i32>} : memref<208xf32, #tpu.memory_space<vmem>>, vector<16xf32>,
      %swap3A_749 = vector.shape_cast %swap3A_748 : vector<16xf32> to vector<16xf32>
      %swap3A_750 = vector.shape_cast %div3A_746 : vector<16xf32> to vector<16xf32>
      tpu.vector_store %arg8[%swap3A_747], %swap3A_750 {strides = array<i32>} : memref<208xf32, #tpu.memory_space<vmem>>, vector<16xf32>,
      %div3A_751 = vector.broadcast %add3A_720 : f32 to vector<16xf32>
      %div3A_752 = arith.divf %exp3A_644, %div3A_751 : vector<16xf32>
      %swap3A_753 = arith.constant 80 : index
      %swap3A_754 = tpu.vector_load %arg8[%swap3A_753] {strides = array<i32>} : memref<208xf32, #tpu.memory_space<vmem>>, vector<16xf32>,
      %swap3A_755 = vector.shape_cast %swap3A_754 : vector<16xf32> to vector<16xf32>
      %swap3A_756 = vector.shape_cast %div3A_752 : vector<16xf32> to vector<16xf32>
      tpu.vector_store %arg8[%swap3A_753], %swap3A_756 {strides = array<i32>} : memref<208xf32, #tpu.memory_space<vmem>>, vector<16xf32>,
      %div3A_757 = vector.broadcast %add3A_720 : f32 to vector<16xf32>
      %div3A_758 = arith.divf %exp3A_648, %div3A_757 : vector<16xf32>
      %swap3A_759 = arith.constant 96 : index
      %swap3A_760 = tpu.vector_load %arg8[%swap3A_759] {strides = array<i32>} : memref<208xf32, #tpu.memory_space<vmem>>, vector<16xf32>,
      %swap3A_761 = vector.shape_cast %swap3A_760 : vector<16xf32> to vector<16xf32>
      %swap3A_762 = vector.shape_cast %div3A_758 : vector<16xf32> to vector<16xf32>
      tpu.vector_store %arg8[%swap3A_759], %swap3A_762 {strides = array<i32>} : memref<208xf32, #tpu.memory_space<vmem>>, vector<16xf32>,
      %div3A_763 = vector.broadcast %add3A_720 : f32 to vector<16xf32>
      %div3A_764 = arith.divf %exp3A_652, %div3A_763 : vector<16xf32>
      %swap3A_765 = arith.constant 112 : index
      %swap3A_766 = tpu.vector_load %arg8[%swap3A_765] {strides = array<i32>} : memref<208xf32, #tpu.memory_space<vmem>>, vector<16xf32>,
      %swap3A_767 = vector.shape_cast %swap3A_766 : vector<16xf32> to vector<16xf32>
      %swap3A_768 = vector.shape_cast %div3A_764 : vector<16xf32> to vector<16xf32>
      tpu.vector_store %arg8[%swap3A_765], %swap3A_768 {strides = array<i32>} : memref<208xf32, #tpu.memory_space<vmem>>, vector<16xf32>,
      %div3A_769 = vector.broadcast %add3A_720 : f32 to vector<16xf32>
      %div3A_770 = arith.divf %exp3A_656, %div3A_769 : vector<16xf32>
      %swap3A_771 = arith.constant 128 : index
      %swap3A_772 = tpu.vector_load %arg8[%swap3A_771] {strides = array<i32>} : memref<208xf32, #tpu.memory_space<vmem>>, vector<16xf32>,
      %swap3A_773 = vector.shape_cast %swap3A_772 : vector<16xf32> to vector<16xf32>
      %swap3A_774 = vector.shape_cast %div3A_770 : vector<16xf32> to vector<16xf32>
      tpu.vector_store %arg8[%swap3A_771], %swap3A_774 {strides = array<i32>} : memref<208xf32, #tpu.memory_space<vmem>>, vector<16xf32>,
      %div3A_775 = vector.broadcast %add3A_720 : f32 to vector<16xf32>
      %div3A_776 = arith.divf %exp3A_660, %div3A_775 : vector<16xf32>
      %swap3A_777 = arith.constant 144 : index
      %swap3A_778 = tpu.vector_load %arg8[%swap3A_777] {strides = array<i32>} : memref<208xf32, #tpu.memory_space<vmem>>, vector<16xf32>,
      %swap3A_779 = vector.shape_cast %swap3A_778 : vector<16xf32> to vector<16xf32>
      %swap3A_780 = vector.shape_cast %div3A_776 : vector<16xf32> to vector<16xf32>
      tpu.vector_store %arg8[%swap3A_777], %swap3A_780 {strides = array<i32>} : memref<208xf32, #tpu.memory_space<vmem>>, vector<16xf32>,
      %div3A_781 = vector.broadcast %add3A_720 : f32 to vector<16xf32>
      %div3A_782 = arith.divf %exp3A_664, %div3A_781 : vector<16xf32>
      %swap3A_783 = arith.constant 160 : index
      %swap3A_784 = tpu.vector_load %arg8[%swap3A_783] {strides = array<i32>} : memref<208xf32, #tpu.memory_space<vmem>>, vector<16xf32>,
      %swap3A_785 = vector.shape_cast %swap3A_784 : vector<16xf32> to vector<16xf32>
      %swap3A_786 = vector.shape_cast %div3A_782 : vector<16xf32> to vector<16xf32>
      tpu.vector_store %arg8[%swap3A_783], %swap3A_786 {strides = array<i32>} : memref<208xf32, #tpu.memory_space<vmem>>, vector<16xf32>,
      %div3A_787 = vector.broadcast %add3A_720 : f32 to vector<16xf32>
      %div3A_788 = arith.divf %exp3A_668, %div3A_787 : vector<16xf32>
      %swap3A_789 = arith.constant 176 : index
      %swap3A_790 = tpu.vector_load %arg8[%swap3A_789] {strides = array<i32>} : memref<208xf32, #tpu.memory_space<vmem>>, vector<16xf32>,
      %swap3A_791 = vector.shape_cast %swap3A_790 : vector<16xf32> to vector<16xf32>
      %swap3A_792 = vector.shape_cast %div3A_788 : vector<16xf32> to vector<16xf32>
      tpu.vector_store %arg8[%swap3A_789], %swap3A_792 {strides = array<i32>} : memref<208xf32, #tpu.memory_space<vmem>>, vector<16xf32>,
      %div3A_793 = vector.broadcast %add3A_720 : f32 to vector<16xf32>
      %div3A_794 = arith.divf %exp3A_672, %div3A_793 : vector<16xf32>
      %swap3A_795 = arith.constant 192 : index
      %swap3A_796 = tpu.vector_load %arg8[%swap3A_795] {strides = array<i32>} : memref<208xf32, #tpu.memory_space<vmem>>, vector<16xf32>,
      %swap3A_797 = vector.shape_cast %swap3A_796 : vector<16xf32> to vector<16xf32>
      %swap3A_798 = vector.shape_cast %div3A_794 : vector<16xf32> to vector<16xf32>
      tpu.vector_store %arg8[%swap3A_795], %swap3A_798 {strides = array<i32>} : memref<208xf32, #tpu.memory_space<vmem>>, vector<16xf32>,
      %mul3A_799 = arith.constant 200 : i32
      %mul3A_800 = arith.muli %add3A_2, %mul3A_799 : i32
      "tpu.region"() ({
        %run_scoped3A = tpu.sem_alloc : memref<!tpu.dma_semaphore, #tpu.memory_space<semaphore_mem>>
        %dma_start3A_801 = arith.constant 0 : i32
        %dma_start3A_802 = tpu.memref_slice %arg8[%dma_start3A_801] : memref<208xf32, #tpu.memory_space<vmem>> -> memref<200xf32, #tpu.memory_space<vmem>>
        %dma_start3A_803 = tpu.memref_slice %arg4[%mul3A_800] : memref<10000xf32, #tpu.memory_space<hbm>> -> memref<200xf32, #tpu.memory_space<hbm>>
        %dma_start3A_804 = tpu.memref_slice %arg4[%mul3A_800] : memref<10000xf32, #tpu.memory_space<hbm>> -> memref<200xf32, #tpu.memory_space<hbm>>
        %dma_start3A_805 = arith.constant 0 : i32
        %dma_start3A_806 = tpu.memref_slice %arg8[%dma_start3A_805] : memref<208xf32, #tpu.memory_space<vmem>> -> memref<200xf32, #tpu.memory_space<vmem>>
        tpu.enqueue_dma source(%dma_start3A_806 : memref<200xf32, #tpu.memory_space<vmem>>) target(%dma_start3A_804 : memref<200xf32, #tpu.memory_space<hbm>>) target_semaphore(%run_scoped3A : memref<!tpu.dma_semaphore, #tpu.memory_space<semaphore_mem>>)
        %dma_wait3A_807 = arith.constant 0 : i32
        %dma_wait3A_808 = tpu.memref_slice %arg8[%dma_wait3A_807] : memref<208xf32, #tpu.memory_space<vmem>> -> memref<200xf32, #tpu.memory_space<vmem>>
        %dma_wait3A_809 = tpu.memref_slice %arg4[%mul3A_800] : memref<10000xf32, #tpu.memory_space<hbm>> -> memref<200xf32, #tpu.memory_space<hbm>>
        %dma_wait3A_810 = tpu.memref_slice %arg4[%mul3A_800] : memref<10000xf32, #tpu.memory_space<hbm>> -> memref<200xf32, #tpu.memory_space<hbm>>
        %dma_wait3A_811 = arith.constant 0 : i32
        %dma_wait3A_812 = tpu.memref_slice %arg8[%dma_wait3A_811] : memref<208xf32, #tpu.memory_space<vmem>> -> memref<200xf32, #tpu.memory_space<vmem>>
        tpu.wait_dma2 semaphore(%run_scoped3A : memref<!tpu.dma_semaphore, #tpu.memory_space<semaphore_mem>>) src(%dma_wait3A_812 : memref<200xf32, #tpu.memory_space<vmem>>) dst(%dma_wait3A_810 : memref<200xf32, #tpu.memory_space<hbm>>)
        tpu.yield
      }) : () -> ()
    } else {
    }
    return
  }
}

module attributes {stable_mosaic.version = 14 : i64} {
  func.func @_row_gather_body(%arg0: i32, %arg1: memref<50xi32, #tpu.memory_space<smem>>, %arg2: memref<8x10000xf32, #tpu.memory_space<vmem>>, %arg3: memref<8x10000xf32, #tpu.memory_space<vmem>>, %arg4: memref<8x10000xf32, #tpu.memory_space<vmem>>, %arg5: memref<8x10000xf32, #tpu.memory_space<vmem>>, %arg6: memref<8x10000xf32, #tpu.memory_space<vmem>>, %arg7: memref<8x10000xf32, #tpu.memory_space<vmem>>, %arg8: memref<8x10000xf32, #tpu.memory_space<vmem>>, %arg9: memref<8x10000xf32, #tpu.memory_space<vmem>>, %arg10: memref<80896xf32, #tpu.memory_space<vmem>>) attributes {dimension_semantics = [#tpu.dimension_semantics<arbitrary>], iteration_bounds = array<i64: 7>, scalar_prefetch = 1 : i64, scratch_operands = 0 : i64, tpu.core_type = #tpu.core_type<tc>, window_params = [{transform_indices = @transform_0, window_bounds = array<i64: 8, 10000>}, {transform_indices = @transform_1, window_bounds = array<i64: 8, 10000>}, {transform_indices = @transform_2, window_bounds = array<i64: 8, 10000>}, {transform_indices = @transform_3, window_bounds = array<i64: 8, 10000>}, {transform_indices = @transform_4, window_bounds = array<i64: 8, 10000>}, {transform_indices = @transform_5, window_bounds = array<i64: 8, 10000>}, {transform_indices = @transform_6, window_bounds = array<i64: 8, 10000>}, {transform_indices = @transform_7, window_bounds = array<i64: 8, 10000>}, {transform_indices = @transform_8, window_bounds = array<i64: 80896>}]} {
    %mul3A = arith.constant 8 : i32
    %mul3A_0 = arith.muli %arg0, %mul3A : i32
    %add3A = arith.constant 0 : i32
    %add3A_1 = arith.addi %mul3A_0, %add3A : i32
    %min3A = arith.constant 49 : i32
    %min3A_2 = arith.minsi %add3A_1, %min3A : i32
    %get3A = arith.index_cast %min3A_2 : i32 to index
    %get3A_3 = memref.load %arg1[%get3A] : memref<50xi32, #tpu.memory_space<smem>>
    %jit3A = arith.constant 8 : i32
    %eq3A = arith.constant 0 : i32
    %eq3A_4 = arith.cmpi eq, %jit3A, %eq3A : i32
    %jit3A_5 = arith.constant 1 : i32
    %select_n3A = arith.select %eq3A_4, %jit3A_5, %jit3A : i32
    %rem3A = arith.remsi %get3A_3, %select_n3A : i32
    %ne3A = arith.constant 0 : i32
    %ne3A_6 = arith.cmpi ne, %rem3A, %ne3A : i32
    %lt3A = arith.constant 0 : i32
    %lt3A_7 = arith.cmpi slt, %rem3A, %lt3A : i32
    %lt3A_8 = arith.constant 0 : i32
    %lt3A_9 = arith.cmpi slt, %select_n3A, %lt3A_8 : i32
    %ne3A_10 = arith.xori %lt3A_7, %lt3A_9 : i1
    %and3A = arith.andi %ne3A_10, %ne3A_6 : i1
    %add3A_11 = arith.addi %rem3A, %select_n3A : i32
    %select_n3A_12 = arith.select %and3A, %add3A_11, %rem3A : i32
    %get3A_13 = arith.index_cast %select_n3A_12 : i32 to index
    %get3A_14 = arith.constant 0 : index
    %get3A_15 = vector.load %arg2[%get3A_13, %get3A_14] : memref<8x10000xf32, #tpu.memory_space<vmem>>, vector<1x10000xf32>
    %squeeze3A = vector.shape_cast %get3A_15 : vector<1x10000xf32> to vector<10000xf32>
    %swap3A = arith.constant 0 : index
    %swap3A_16 = vector.load %arg10[%swap3A] : memref<80896xf32, #tpu.memory_space<vmem>>, vector<10000xf32>
    tpu.vector_store %arg10[%swap3A], %squeeze3A {strides = array<i32>} : memref<80896xf32, #tpu.memory_space<vmem>>, vector<10000xf32>,
    %mul3A_17 = arith.constant 8 : i32
    %mul3A_18 = arith.muli %arg0, %mul3A_17 : i32
    %add3A_19 = arith.constant 1 : i32
    %add3A_20 = arith.addi %mul3A_18, %add3A_19 : i32
    %min3A_21 = arith.constant 49 : i32
    %min3A_22 = arith.minsi %add3A_20, %min3A_21 : i32
    %get3A_23 = arith.index_cast %min3A_22 : i32 to index
    %get3A_24 = memref.load %arg1[%get3A_23] : memref<50xi32, #tpu.memory_space<smem>>
    %jit3A_25 = arith.constant 8 : i32
    %eq3A_26 = arith.constant 0 : i32
    %eq3A_27 = arith.cmpi eq, %jit3A_25, %eq3A_26 : i32
    %jit3A_28 = arith.constant 1 : i32
    %select_n3A_29 = arith.select %eq3A_27, %jit3A_28, %jit3A_25 : i32
    %rem3A_30 = arith.remsi %get3A_24, %select_n3A_29 : i32
    %ne3A_31 = arith.constant 0 : i32
    %ne3A_32 = arith.cmpi ne, %rem3A_30, %ne3A_31 : i32
    %lt3A_33 = arith.constant 0 : i32
    %lt3A_34 = arith.cmpi slt, %rem3A_30, %lt3A_33 : i32
    %lt3A_35 = arith.constant 0 : i32
    %lt3A_36 = arith.cmpi slt, %select_n3A_29, %lt3A_35 : i32
    %ne3A_37 = arith.xori %lt3A_34, %lt3A_36 : i1
    %and3A_38 = arith.andi %ne3A_37, %ne3A_32 : i1
    %add3A_39 = arith.addi %rem3A_30, %select_n3A_29 : i32
    %select_n3A_40 = arith.select %and3A_38, %add3A_39, %rem3A_30 : i32
    %get3A_41 = arith.index_cast %select_n3A_40 : i32 to index
    %get3A_42 = arith.constant 0 : index
    %get3A_43 = vector.load %arg3[%get3A_41, %get3A_42] : memref<8x10000xf32, #tpu.memory_space<vmem>>, vector<1x10000xf32>
    %squeeze3A_44 = vector.shape_cast %get3A_43 : vector<1x10000xf32> to vector<10000xf32>
    %swap3A_45 = arith.constant 10112 : index
    %swap3A_46 = vector.load %arg10[%swap3A_45] : memref<80896xf32, #tpu.memory_space<vmem>>, vector<10000xf32>
    tpu.vector_store %arg10[%swap3A_45], %squeeze3A_44 {strides = array<i32>} : memref<80896xf32, #tpu.memory_space<vmem>>, vector<10000xf32>,
    %mul3A_47 = arith.constant 8 : i32
    %mul3A_48 = arith.muli %arg0, %mul3A_47 : i32
    %add3A_49 = arith.constant 2 : i32
    %add3A_50 = arith.addi %mul3A_48, %add3A_49 : i32
    %min3A_51 = arith.constant 49 : i32
    %min3A_52 = arith.minsi %add3A_50, %min3A_51 : i32
    %get3A_53 = arith.index_cast %min3A_52 : i32 to index
    %get3A_54 = memref.load %arg1[%get3A_53] : memref<50xi32, #tpu.memory_space<smem>>
    %jit3A_55 = arith.constant 8 : i32
    %eq3A_56 = arith.constant 0 : i32
    %eq3A_57 = arith.cmpi eq, %jit3A_55, %eq3A_56 : i32
    %jit3A_58 = arith.constant 1 : i32
    %select_n3A_59 = arith.select %eq3A_57, %jit3A_58, %jit3A_55 : i32
    %rem3A_60 = arith.remsi %get3A_54, %select_n3A_59 : i32
    %ne3A_61 = arith.constant 0 : i32
    %ne3A_62 = arith.cmpi ne, %rem3A_60, %ne3A_61 : i32
    %lt3A_63 = arith.constant 0 : i32
    %lt3A_64 = arith.cmpi slt, %rem3A_60, %lt3A_63 : i32
    %lt3A_65 = arith.constant 0 : i32
    %lt3A_66 = arith.cmpi slt, %select_n3A_59, %lt3A_65 : i32
    %ne3A_67 = arith.xori %lt3A_64, %lt3A_66 : i1
    %and3A_68 = arith.andi %ne3A_67, %ne3A_62 : i1
    %add3A_69 = arith.addi %rem3A_60, %select_n3A_59 : i32
    %select_n3A_70 = arith.select %and3A_68, %add3A_69, %rem3A_60 : i32
    %get3A_71 = arith.index_cast %select_n3A_70 : i32 to index
    %get3A_72 = arith.constant 0 : index
    %get3A_73 = vector.load %arg4[%get3A_71, %get3A_72] : memref<8x10000xf32, #tpu.memory_space<vmem>>, vector<1x10000xf32>
    %squeeze3A_74 = vector.shape_cast %get3A_73 : vector<1x10000xf32> to vector<10000xf32>
    %swap3A_75 = arith.constant 20224 : index
    %swap3A_76 = vector.load %arg10[%swap3A_75] : memref<80896xf32, #tpu.memory_space<vmem>>, vector<10000xf32>
    tpu.vector_store %arg10[%swap3A_75], %squeeze3A_74 {strides = array<i32>} : memref<80896xf32, #tpu.memory_space<vmem>>, vector<10000xf32>,
    %mul3A_77 = arith.constant 8 : i32
    %mul3A_78 = arith.muli %arg0, %mul3A_77 : i32
    %add3A_79 = arith.constant 3 : i32
    %add3A_80 = arith.addi %mul3A_78, %add3A_79 : i32
    %min3A_81 = arith.constant 49 : i32
    %min3A_82 = arith.minsi %add3A_80, %min3A_81 : i32
    %get3A_83 = arith.index_cast %min3A_82 : i32 to index
    %get3A_84 = memref.load %arg1[%get3A_83] : memref<50xi32, #tpu.memory_space<smem>>
    %jit3A_85 = arith.constant 8 : i32
    %eq3A_86 = arith.constant 0 : i32
    %eq3A_87 = arith.cmpi eq, %jit3A_85, %eq3A_86 : i32
    %jit3A_88 = arith.constant 1 : i32
    %select_n3A_89 = arith.select %eq3A_87, %jit3A_88, %jit3A_85 : i32
    %rem3A_90 = arith.remsi %get3A_84, %select_n3A_89 : i32
    %ne3A_91 = arith.constant 0 : i32
    %ne3A_92 = arith.cmpi ne, %rem3A_90, %ne3A_91 : i32
    %lt3A_93 = arith.constant 0 : i32
    %lt3A_94 = arith.cmpi slt, %rem3A_90, %lt3A_93 : i32
    %lt3A_95 = arith.constant 0 : i32
    %lt3A_96 = arith.cmpi slt, %select_n3A_89, %lt3A_95 : i32
    %ne3A_97 = arith.xori %lt3A_94, %lt3A_96 : i1
    %and3A_98 = arith.andi %ne3A_97, %ne3A_92 : i1
    %add3A_99 = arith.addi %rem3A_90, %select_n3A_89 : i32
    %select_n3A_100 = arith.select %and3A_98, %add3A_99, %rem3A_90 : i32
    %get3A_101 = arith.index_cast %select_n3A_100 : i32 to index
    %get3A_102 = arith.constant 0 : index
    %get3A_103 = vector.load %arg5[%get3A_101, %get3A_102] : memref<8x10000xf32, #tpu.memory_space<vmem>>, vector<1x10000xf32>
    %squeeze3A_104 = vector.shape_cast %get3A_103 : vector<1x10000xf32> to vector<10000xf32>
    %swap3A_105 = arith.constant 30336 : index
    %swap3A_106 = vector.load %arg10[%swap3A_105] : memref<80896xf32, #tpu.memory_space<vmem>>, vector<10000xf32>
    tpu.vector_store %arg10[%swap3A_105], %squeeze3A_104 {strides = array<i32>} : memref<80896xf32, #tpu.memory_space<vmem>>, vector<10000xf32>,
    %mul3A_107 = arith.constant 8 : i32
    %mul3A_108 = arith.muli %arg0, %mul3A_107 : i32
    %add3A_109 = arith.constant 4 : i32
    %add3A_110 = arith.addi %mul3A_108, %add3A_109 : i32
    %min3A_111 = arith.constant 49 : i32
    %min3A_112 = arith.minsi %add3A_110, %min3A_111 : i32
    %get3A_113 = arith.index_cast %min3A_112 : i32 to index
    %get3A_114 = memref.load %arg1[%get3A_113] : memref<50xi32, #tpu.memory_space<smem>>
    %jit3A_115 = arith.constant 8 : i32
    %eq3A_116 = arith.constant 0 : i32
    %eq3A_117 = arith.cmpi eq, %jit3A_115, %eq3A_116 : i32
    %jit3A_118 = arith.constant 1 : i32
    %select_n3A_119 = arith.select %eq3A_117, %jit3A_118, %jit3A_115 : i32
    %rem3A_120 = arith.remsi %get3A_114, %select_n3A_119 : i32
    %ne3A_121 = arith.constant 0 : i32
    %ne3A_122 = arith.cmpi ne, %rem3A_120, %ne3A_121 : i32
    %lt3A_123 = arith.constant 0 : i32
    %lt3A_124 = arith.cmpi slt, %rem3A_120, %lt3A_123 : i32
    %lt3A_125 = arith.constant 0 : i32
    %lt3A_126 = arith.cmpi slt, %select_n3A_119, %lt3A_125 : i32
    %ne3A_127 = arith.xori %lt3A_124, %lt3A_126 : i1
    %and3A_128 = arith.andi %ne3A_127, %ne3A_122 : i1
    %add3A_129 = arith.addi %rem3A_120, %select_n3A_119 : i32
    %select_n3A_130 = arith.select %and3A_128, %add3A_129, %rem3A_120 : i32
    %get3A_131 = arith.index_cast %select_n3A_130 : i32 to index
    %get3A_132 = arith.constant 0 : index
    %get3A_133 = vector.load %arg6[%get3A_131, %get3A_132] : memref<8x10000xf32, #tpu.memory_space<vmem>>, vector<1x10000xf32>
    %squeeze3A_134 = vector.shape_cast %get3A_133 : vector<1x10000xf32> to vector<10000xf32>
    %swap3A_135 = arith.constant 40448 : index
    %swap3A_136 = vector.load %arg10[%swap3A_135] : memref<80896xf32, #tpu.memory_space<vmem>>, vector<10000xf32>
    tpu.vector_store %arg10[%swap3A_135], %squeeze3A_134 {strides = array<i32>} : memref<80896xf32, #tpu.memory_space<vmem>>, vector<10000xf32>,
    %mul3A_137 = arith.constant 8 : i32
    %mul3A_138 = arith.muli %arg0, %mul3A_137 : i32
    %add3A_139 = arith.constant 5 : i32
    %add3A_140 = arith.addi %mul3A_138, %add3A_139 : i32
    %min3A_141 = arith.constant 49 : i32
    %min3A_142 = arith.minsi %add3A_140, %min3A_141 : i32
    %get3A_143 = arith.index_cast %min3A_142 : i32 to index
    %get3A_144 = memref.load %arg1[%get3A_143] : memref<50xi32, #tpu.memory_space<smem>>
    %jit3A_145 = arith.constant 8 : i32
    %eq3A_146 = arith.constant 0 : i32
    %eq3A_147 = arith.cmpi eq, %jit3A_145, %eq3A_146 : i32
    %jit3A_148 = arith.constant 1 : i32
    %select_n3A_149 = arith.select %eq3A_147, %jit3A_148, %jit3A_145 : i32
    %rem3A_150 = arith.remsi %get3A_144, %select_n3A_149 : i32
    %ne3A_151 = arith.constant 0 : i32
    %ne3A_152 = arith.cmpi ne, %rem3A_150, %ne3A_151 : i32
    %lt3A_153 = arith.constant 0 : i32
    %lt3A_154 = arith.cmpi slt, %rem3A_150, %lt3A_153 : i32
    %lt3A_155 = arith.constant 0 : i32
    %lt3A_156 = arith.cmpi slt, %select_n3A_149, %lt3A_155 : i32
    %ne3A_157 = arith.xori %lt3A_154, %lt3A_156 : i1
    %and3A_158 = arith.andi %ne3A_157, %ne3A_152 : i1
    %add3A_159 = arith.addi %rem3A_150, %select_n3A_149 : i32
    %select_n3A_160 = arith.select %and3A_158, %add3A_159, %rem3A_150 : i32
    %get3A_161 = arith.index_cast %select_n3A_160 : i32 to index
    %get3A_162 = arith.constant 0 : index
    %get3A_163 = vector.load %arg7[%get3A_161, %get3A_162] : memref<8x10000xf32, #tpu.memory_space<vmem>>, vector<1x10000xf32>
    %squeeze3A_164 = vector.shape_cast %get3A_163 : vector<1x10000xf32> to vector<10000xf32>
    %swap3A_165 = arith.constant 50560 : index
    %swap3A_166 = vector.load %arg10[%swap3A_165] : memref<80896xf32, #tpu.memory_space<vmem>>, vector<10000xf32>
    tpu.vector_store %arg10[%swap3A_165], %squeeze3A_164 {strides = array<i32>} : memref<80896xf32, #tpu.memory_space<vmem>>, vector<10000xf32>,
    %mul3A_167 = arith.constant 8 : i32
    %mul3A_168 = arith.muli %arg0, %mul3A_167 : i32
    %add3A_169 = arith.constant 6 : i32
    %add3A_170 = arith.addi %mul3A_168, %add3A_169 : i32
    %min3A_171 = arith.constant 49 : i32
    %min3A_172 = arith.minsi %add3A_170, %min3A_171 : i32
    %get3A_173 = arith.index_cast %min3A_172 : i32 to index
    %get3A_174 = memref.load %arg1[%get3A_173] : memref<50xi32, #tpu.memory_space<smem>>
    %jit3A_175 = arith.constant 8 : i32
    %eq3A_176 = arith.constant 0 : i32
    %eq3A_177 = arith.cmpi eq, %jit3A_175, %eq3A_176 : i32
    %jit3A_178 = arith.constant 1 : i32
    %select_n3A_179 = arith.select %eq3A_177, %jit3A_178, %jit3A_175 : i32
    %rem3A_180 = arith.remsi %get3A_174, %select_n3A_179 : i32
    %ne3A_181 = arith.constant 0 : i32
    %ne3A_182 = arith.cmpi ne, %rem3A_180, %ne3A_181 : i32
    %lt3A_183 = arith.constant 0 : i32
    %lt3A_184 = arith.cmpi slt, %rem3A_180, %lt3A_183 : i32
    %lt3A_185 = arith.constant 0 : i32
    %lt3A_186 = arith.cmpi slt, %select_n3A_179, %lt3A_185 : i32
    %ne3A_187 = arith.xori %lt3A_184, %lt3A_186 : i1
    %and3A_188 = arith.andi %ne3A_187, %ne3A_182 : i1
    %add3A_189 = arith.addi %rem3A_180, %select_n3A_179 : i32
    %select_n3A_190 = arith.select %and3A_188, %add3A_189, %rem3A_180 : i32
    %get3A_191 = arith.index_cast %select_n3A_190 : i32 to index
    %get3A_192 = arith.constant 0 : index
    %get3A_193 = vector.load %arg8[%get3A_191, %get3A_192] : memref<8x10000xf32, #tpu.memory_space<vmem>>, vector<1x10000xf32>
    %squeeze3A_194 = vector.shape_cast %get3A_193 : vector<1x10000xf32> to vector<10000xf32>
    %swap3A_195 = arith.constant 60672 : index
    %swap3A_196 = vector.load %arg10[%swap3A_195] : memref<80896xf32, #tpu.memory_space<vmem>>, vector<10000xf32>
    tpu.vector_store %arg10[%swap3A_195], %squeeze3A_194 {strides = array<i32>} : memref<80896xf32, #tpu.memory_space<vmem>>, vector<10000xf32>,
    %mul3A_197 = arith.constant 8 : i32
    %mul3A_198 = arith.muli %arg0, %mul3A_197 : i32
    %add3A_199 = arith.constant 7 : i32
    %add3A_200 = arith.addi %mul3A_198, %add3A_199 : i32
    %min3A_201 = arith.constant 49 : i32
    %min3A_202 = arith.minsi %add3A_200, %min3A_201 : i32
    %get3A_203 = arith.index_cast %min3A_202 : i32 to index
    %get3A_204 = memref.load %arg1[%get3A_203] : memref<50xi32, #tpu.memory_space<smem>>
    %jit3A_205 = arith.constant 8 : i32
    %eq3A_206 = arith.constant 0 : i32
    %eq3A_207 = arith.cmpi eq, %jit3A_205, %eq3A_206 : i32
    %jit3A_208 = arith.constant 1 : i32
    %select_n3A_209 = arith.select %eq3A_207, %jit3A_208, %jit3A_205 : i32
    %rem3A_210 = arith.remsi %get3A_204, %select_n3A_209 : i32
    %ne3A_211 = arith.constant 0 : i32
    %ne3A_212 = arith.cmpi ne, %rem3A_210, %ne3A_211 : i32
    %lt3A_213 = arith.constant 0 : i32
    %lt3A_214 = arith.cmpi slt, %rem3A_210, %lt3A_213 : i32
    %lt3A_215 = arith.constant 0 : i32
    %lt3A_216 = arith.cmpi slt, %select_n3A_209, %lt3A_215 : i32
    %ne3A_217 = arith.xori %lt3A_214, %lt3A_216 : i1
    %and3A_218 = arith.andi %ne3A_217, %ne3A_212 : i1
    %add3A_219 = arith.addi %rem3A_210, %select_n3A_209 : i32
    %select_n3A_220 = arith.select %and3A_218, %add3A_219, %rem3A_210 : i32
    %get3A_221 = arith.index_cast %select_n3A_220 : i32 to index
    %get3A_222 = arith.constant 0 : index
    %get3A_223 = vector.load %arg9[%get3A_221, %get3A_222] : memref<8x10000xf32, #tpu.memory_space<vmem>>, vector<1x10000xf32>
    %squeeze3A_224 = vector.shape_cast %get3A_223 : vector<1x10000xf32> to vector<10000xf32>
    %swap3A_225 = arith.constant 70784 : index
    %swap3A_226 = vector.load %arg10[%swap3A_225] : memref<80896xf32, #tpu.memory_space<vmem>>, vector<10000xf32>
    tpu.vector_store %arg10[%swap3A_225], %squeeze3A_224 {strides = array<i32>} : memref<80896xf32, #tpu.memory_space<vmem>>, vector<10000xf32>,
    return
  }
  func.func @transform_0(%arg0: i32, %arg1: memref<50xi32, #tpu.memory_space<smem>>) -> (i32, i32) {
    %mul3A = arith.constant 8 : i32
    %mul3A_0 = arith.muli %arg0, %mul3A : i32
    %add3A = arith.constant 0 : i32
    %add3A_1 = arith.addi %mul3A_0, %add3A : i32
    %min3A = arith.constant 49 : i32
    %min3A_2 = arith.minsi %add3A_1, %min3A : i32
    %get3A = arith.index_cast %min3A_2 : i32 to index
    %get3A_3 = memref.load %arg1[%get3A] : memref<50xi32, #tpu.memory_space<smem>>
    %jit3A = arith.constant 8 : i32
    %div3A = arith.divsi %get3A_3, %jit3A : i32
    %sign3A = arith.constant 0 : i32
    %sign3A_4 = arith.cmpi sgt, %get3A_3, %sign3A : i32
    %sign3A_5 = arith.extui %sign3A_4 : i1 to i32
    %sign3A_6 = arith.constant 0 : i32
    %sign3A_7 = arith.cmpi slt, %get3A_3, %sign3A_6 : i32
    %sign3A_8 = arith.extui %sign3A_7 : i1 to i32
    %sign3A_9 = arith.subi %sign3A_5, %sign3A_8 : i32
    %sign3A_10 = arith.constant 0 : i32
    %sign3A_11 = arith.cmpi sgt, %jit3A, %sign3A_10 : i32
    %sign3A_12 = arith.extui %sign3A_11 : i1 to i32
    %sign3A_13 = arith.constant 0 : i32
    %sign3A_14 = arith.cmpi slt, %jit3A, %sign3A_13 : i32
    %sign3A_15 = arith.extui %sign3A_14 : i1 to i32
    %sign3A_16 = arith.subi %sign3A_12, %sign3A_15 : i32
    %ne3A = arith.cmpi ne, %sign3A_9, %sign3A_16 : i32
    %rem3A = arith.remsi %get3A_3, %jit3A : i32
    %ne3A_17 = arith.constant 0 : i32
    %ne3A_18 = arith.cmpi ne, %rem3A, %ne3A_17 : i32
    %and3A = arith.andi %ne3A, %ne3A_18 : i1
    %sub3A = arith.constant 1 : i32
    %sub3A_19 = arith.subi %div3A, %sub3A : i32
    %select_n3A = arith.select %and3A, %sub3A_19, %div3A : i32
    %c0_i32 = arith.constant 0 : i32
    %c0_i32_20 = arith.constant 0 : i32
    return %select_n3A, %c0_i32 : i32, i32
  }
  func.func @transform_1(%arg0: i32, %arg1: memref<50xi32, #tpu.memory_space<smem>>) -> (i32, i32) {
    %mul3A = arith.constant 8 : i32
    %mul3A_0 = arith.muli %arg0, %mul3A : i32
    %add3A = arith.constant 1 : i32
    %add3A_1 = arith.addi %mul3A_0, %add3A : i32
    %min3A = arith.constant 49 : i32
    %min3A_2 = arith.minsi %add3A_1, %min3A : i32
    %get3A = arith.index_cast %min3A_2 : i32 to index
    %get3A_3 = memref.load %arg1[%get3A] : memref<50xi32, #tpu.memory_space<smem>>
    %jit3A = arith.constant 8 : i32
    %div3A = arith.divsi %get3A_3, %jit3A : i32
    %sign3A = arith.constant 0 : i32
    %sign3A_4 = arith.cmpi sgt, %get3A_3, %sign3A : i32
    %sign3A_5 = arith.extui %sign3A_4 : i1 to i32
    %sign3A_6 = arith.constant 0 : i32
    %sign3A_7 = arith.cmpi slt, %get3A_3, %sign3A_6 : i32
    %sign3A_8 = arith.extui %sign3A_7 : i1 to i32
    %sign3A_9 = arith.subi %sign3A_5, %sign3A_8 : i32
    %sign3A_10 = arith.constant 0 : i32
    %sign3A_11 = arith.cmpi sgt, %jit3A, %sign3A_10 : i32
    %sign3A_12 = arith.extui %sign3A_11 : i1 to i32
    %sign3A_13 = arith.constant 0 : i32
    %sign3A_14 = arith.cmpi slt, %jit3A, %sign3A_13 : i32
    %sign3A_15 = arith.extui %sign3A_14 : i1 to i32
    %sign3A_16 = arith.subi %sign3A_12, %sign3A_15 : i32
    %ne3A = arith.cmpi ne, %sign3A_9, %sign3A_16 : i32
    %rem3A = arith.remsi %get3A_3, %jit3A : i32
    %ne3A_17 = arith.constant 0 : i32
    %ne3A_18 = arith.cmpi ne, %rem3A, %ne3A_17 : i32
    %and3A = arith.andi %ne3A, %ne3A_18 : i1
    %sub3A = arith.constant 1 : i32
    %sub3A_19 = arith.subi %div3A, %sub3A : i32
    %select_n3A = arith.select %and3A, %sub3A_19, %div3A : i32
    %c0_i32 = arith.constant 0 : i32
    %c0_i32_20 = arith.constant 0 : i32
    return %select_n3A, %c0_i32 : i32, i32
  }
  func.func @transform_2(%arg0: i32, %arg1: memref<50xi32, #tpu.memory_space<smem>>) -> (i32, i32) {
    %mul3A = arith.constant 8 : i32
    %mul3A_0 = arith.muli %arg0, %mul3A : i32
    %add3A = arith.constant 2 : i32
    %add3A_1 = arith.addi %mul3A_0, %add3A : i32
    %min3A = arith.constant 49 : i32
    %min3A_2 = arith.minsi %add3A_1, %min3A : i32
    %get3A = arith.index_cast %min3A_2 : i32 to index
    %get3A_3 = memref.load %arg1[%get3A] : memref<50xi32, #tpu.memory_space<smem>>
    %jit3A = arith.constant 8 : i32
    %div3A = arith.divsi %get3A_3, %jit3A : i32
    %sign3A = arith.constant 0 : i32
    %sign3A_4 = arith.cmpi sgt, %get3A_3, %sign3A : i32
    %sign3A_5 = arith.extui %sign3A_4 : i1 to i32
    %sign3A_6 = arith.constant 0 : i32
    %sign3A_7 = arith.cmpi slt, %get3A_3, %sign3A_6 : i32
    %sign3A_8 = arith.extui %sign3A_7 : i1 to i32
    %sign3A_9 = arith.subi %sign3A_5, %sign3A_8 : i32
    %sign3A_10 = arith.constant 0 : i32
    %sign3A_11 = arith.cmpi sgt, %jit3A, %sign3A_10 : i32
    %sign3A_12 = arith.extui %sign3A_11 : i1 to i32
    %sign3A_13 = arith.constant 0 : i32
    %sign3A_14 = arith.cmpi slt, %jit3A, %sign3A_13 : i32
    %sign3A_15 = arith.extui %sign3A_14 : i1 to i32
    %sign3A_16 = arith.subi %sign3A_12, %sign3A_15 : i32
    %ne3A = arith.cmpi ne, %sign3A_9, %sign3A_16 : i32
    %rem3A = arith.remsi %get3A_3, %jit3A : i32
    %ne3A_17 = arith.constant 0 : i32
    %ne3A_18 = arith.cmpi ne, %rem3A, %ne3A_17 : i32
    %and3A = arith.andi %ne3A, %ne3A_18 : i1
    %sub3A = arith.constant 1 : i32
    %sub3A_19 = arith.subi %div3A, %sub3A : i32
    %select_n3A = arith.select %and3A, %sub3A_19, %div3A : i32
    %c0_i32 = arith.constant 0 : i32
    %c0_i32_20 = arith.constant 0 : i32
    return %select_n3A, %c0_i32 : i32, i32
  }
  func.func @transform_3(%arg0: i32, %arg1: memref<50xi32, #tpu.memory_space<smem>>) -> (i32, i32) {
    %mul3A = arith.constant 8 : i32
    %mul3A_0 = arith.muli %arg0, %mul3A : i32
    %add3A = arith.constant 3 : i32
    %add3A_1 = arith.addi %mul3A_0, %add3A : i32
    %min3A = arith.constant 49 : i32
    %min3A_2 = arith.minsi %add3A_1, %min3A : i32
    %get3A = arith.index_cast %min3A_2 : i32 to index
    %get3A_3 = memref.load %arg1[%get3A] : memref<50xi32, #tpu.memory_space<smem>>
    %jit3A = arith.constant 8 : i32
    %div3A = arith.divsi %get3A_3, %jit3A : i32
    %sign3A = arith.constant 0 : i32
    %sign3A_4 = arith.cmpi sgt, %get3A_3, %sign3A : i32
    %sign3A_5 = arith.extui %sign3A_4 : i1 to i32
    %sign3A_6 = arith.constant 0 : i32
    %sign3A_7 = arith.cmpi slt, %get3A_3, %sign3A_6 : i32
    %sign3A_8 = arith.extui %sign3A_7 : i1 to i32
    %sign3A_9 = arith.subi %sign3A_5, %sign3A_8 : i32
    %sign3A_10 = arith.constant 0 : i32
    %sign3A_11 = arith.cmpi sgt, %jit3A, %sign3A_10 : i32
    %sign3A_12 = arith.extui %sign3A_11 : i1 to i32
    %sign3A_13 = arith.constant 0 : i32
    %sign3A_14 = arith.cmpi slt, %jit3A, %sign3A_13 : i32
    %sign3A_15 = arith.extui %sign3A_14 : i1 to i32
    %sign3A_16 = arith.subi %sign3A_12, %sign3A_15 : i32
    %ne3A = arith.cmpi ne, %sign3A_9, %sign3A_16 : i32
    %rem3A = arith.remsi %get3A_3, %jit3A : i32
    %ne3A_17 = arith.constant 0 : i32
    %ne3A_18 = arith.cmpi ne, %rem3A, %ne3A_17 : i32
    %and3A = arith.andi %ne3A, %ne3A_18 : i1
    %sub3A = arith.constant 1 : i32
    %sub3A_19 = arith.subi %div3A, %sub3A : i32
    %select_n3A = arith.select %and3A, %sub3A_19, %div3A : i32
    %c0_i32 = arith.constant 0 : i32
    %c0_i32_20 = arith.constant 0 : i32
    return %select_n3A, %c0_i32 : i32, i32
  }
  func.func @transform_4(%arg0: i32, %arg1: memref<50xi32, #tpu.memory_space<smem>>) -> (i32, i32) {
    %mul3A = arith.constant 8 : i32
    %mul3A_0 = arith.muli %arg0, %mul3A : i32
    %add3A = arith.constant 4 : i32
    %add3A_1 = arith.addi %mul3A_0, %add3A : i32
    %min3A = arith.constant 49 : i32
    %min3A_2 = arith.minsi %add3A_1, %min3A : i32
    %get3A = arith.index_cast %min3A_2 : i32 to index
    %get3A_3 = memref.load %arg1[%get3A] : memref<50xi32, #tpu.memory_space<smem>>
    %jit3A = arith.constant 8 : i32
    %div3A = arith.divsi %get3A_3, %jit3A : i32
    %sign3A = arith.constant 0 : i32
    %sign3A_4 = arith.cmpi sgt, %get3A_3, %sign3A : i32
    %sign3A_5 = arith.extui %sign3A_4 : i1 to i32
    %sign3A_6 = arith.constant 0 : i32
    %sign3A_7 = arith.cmpi slt, %get3A_3, %sign3A_6 : i32
    %sign3A_8 = arith.extui %sign3A_7 : i1 to i32
    %sign3A_9 = arith.subi %sign3A_5, %sign3A_8 : i32
    %sign3A_10 = arith.constant 0 : i32
    %sign3A_11 = arith.cmpi sgt, %jit3A, %sign3A_10 : i32
    %sign3A_12 = arith.extui %sign3A_11 : i1 to i32
    %sign3A_13 = arith.constant 0 : i32
    %sign3A_14 = arith.cmpi slt, %jit3A, %sign3A_13 : i32
    %sign3A_15 = arith.extui %sign3A_14 : i1 to i32
    %sign3A_16 = arith.subi %sign3A_12, %sign3A_15 : i32
    %ne3A = arith.cmpi ne, %sign3A_9, %sign3A_16 : i32
    %rem3A = arith.remsi %get3A_3, %jit3A : i32
    %ne3A_17 = arith.constant 0 : i32
    %ne3A_18 = arith.cmpi ne, %rem3A, %ne3A_17 : i32
    %and3A = arith.andi %ne3A, %ne3A_18 : i1
    %sub3A = arith.constant 1 : i32
    %sub3A_19 = arith.subi %div3A, %sub3A : i32
    %select_n3A = arith.select %and3A, %sub3A_19, %div3A : i32
    %c0_i32 = arith.constant 0 : i32
    %c0_i32_20 = arith.constant 0 : i32
    return %select_n3A, %c0_i32 : i32, i32
  }
  func.func @transform_5(%arg0: i32, %arg1: memref<50xi32, #tpu.memory_space<smem>>) -> (i32, i32) {
    %mul3A = arith.constant 8 : i32
    %mul3A_0 = arith.muli %arg0, %mul3A : i32
    %add3A = arith.constant 5 : i32
    %add3A_1 = arith.addi %mul3A_0, %add3A : i32
    %min3A = arith.constant 49 : i32
    %min3A_2 = arith.minsi %add3A_1, %min3A : i32
    %get3A = arith.index_cast %min3A_2 : i32 to index
    %get3A_3 = memref.load %arg1[%get3A] : memref<50xi32, #tpu.memory_space<smem>>
    %jit3A = arith.constant 8 : i32
    %div3A = arith.divsi %get3A_3, %jit3A : i32
    %sign3A = arith.constant 0 : i32
    %sign3A_4 = arith.cmpi sgt, %get3A_3, %sign3A : i32
    %sign3A_5 = arith.extui %sign3A_4 : i1 to i32
    %sign3A_6 = arith.constant 0 : i32
    %sign3A_7 = arith.cmpi slt, %get3A_3, %sign3A_6 : i32
    %sign3A_8 = arith.extui %sign3A_7 : i1 to i32
    %sign3A_9 = arith.subi %sign3A_5, %sign3A_8 : i32
    %sign3A_10 = arith.constant 0 : i32
    %sign3A_11 = arith.cmpi sgt, %jit3A, %sign3A_10 : i32
    %sign3A_12 = arith.extui %sign3A_11 : i1 to i32
    %sign3A_13 = arith.constant 0 : i32
    %sign3A_14 = arith.cmpi slt, %jit3A, %sign3A_13 : i32
    %sign3A_15 = arith.extui %sign3A_14 : i1 to i32
    %sign3A_16 = arith.subi %sign3A_12, %sign3A_15 : i32
    %ne3A = arith.cmpi ne, %sign3A_9, %sign3A_16 : i32
    %rem3A = arith.remsi %get3A_3, %jit3A : i32
    %ne3A_17 = arith.constant 0 : i32
    %ne3A_18 = arith.cmpi ne, %rem3A, %ne3A_17 : i32
    %and3A = arith.andi %ne3A, %ne3A_18 : i1
    %sub3A = arith.constant 1 : i32
    %sub3A_19 = arith.subi %div3A, %sub3A : i32
    %select_n3A = arith.select %and3A, %sub3A_19, %div3A : i32
    %c0_i32 = arith.constant 0 : i32
    %c0_i32_20 = arith.constant 0 : i32
    return %select_n3A, %c0_i32 : i32, i32
  }
  func.func @transform_6(%arg0: i32, %arg1: memref<50xi32, #tpu.memory_space<smem>>) -> (i32, i32) {
    %mul3A = arith.constant 8 : i32
    %mul3A_0 = arith.muli %arg0, %mul3A : i32
    %add3A = arith.constant 6 : i32
    %add3A_1 = arith.addi %mul3A_0, %add3A : i32
    %min3A = arith.constant 49 : i32
    %min3A_2 = arith.minsi %add3A_1, %min3A : i32
    %get3A = arith.index_cast %min3A_2 : i32 to index
    %get3A_3 = memref.load %arg1[%get3A] : memref<50xi32, #tpu.memory_space<smem>>
    %jit3A = arith.constant 8 : i32
    %div3A = arith.divsi %get3A_3, %jit3A : i32
    %sign3A = arith.constant 0 : i32
    %sign3A_4 = arith.cmpi sgt, %get3A_3, %sign3A : i32
    %sign3A_5 = arith.extui %sign3A_4 : i1 to i32
    %sign3A_6 = arith.constant 0 : i32
    %sign3A_7 = arith.cmpi slt, %get3A_3, %sign3A_6 : i32
    %sign3A_8 = arith.extui %sign3A_7 : i1 to i32
    %sign3A_9 = arith.subi %sign3A_5, %sign3A_8 : i32
    %sign3A_10 = arith.constant 0 : i32
    %sign3A_11 = arith.cmpi sgt, %jit3A, %sign3A_10 : i32
    %sign3A_12 = arith.extui %sign3A_11 : i1 to i32
    %sign3A_13 = arith.constant 0 : i32
    %sign3A_14 = arith.cmpi slt, %jit3A, %sign3A_13 : i32
    %sign3A_15 = arith.extui %sign3A_14 : i1 to i32
    %sign3A_16 = arith.subi %sign3A_12, %sign3A_15 : i32
    %ne3A = arith.cmpi ne, %sign3A_9, %sign3A_16 : i32
    %rem3A = arith.remsi %get3A_3, %jit3A : i32
    %ne3A_17 = arith.constant 0 : i32
    %ne3A_18 = arith.cmpi ne, %rem3A, %ne3A_17 : i32
    %and3A = arith.andi %ne3A, %ne3A_18 : i1
    %sub3A = arith.constant 1 : i32
    %sub3A_19 = arith.subi %div3A, %sub3A : i32
    %select_n3A = arith.select %and3A, %sub3A_19, %div3A : i32
    %c0_i32 = arith.constant 0 : i32
    %c0_i32_20 = arith.constant 0 : i32
    return %select_n3A, %c0_i32 : i32, i32
  }
  func.func @transform_7(%arg0: i32, %arg1: memref<50xi32, #tpu.memory_space<smem>>) -> (i32, i32) {
    %mul3A = arith.constant 8 : i32
    %mul3A_0 = arith.muli %arg0, %mul3A : i32
    %add3A = arith.constant 7 : i32
    %add3A_1 = arith.addi %mul3A_0, %add3A : i32
    %min3A = arith.constant 49 : i32
    %min3A_2 = arith.minsi %add3A_1, %min3A : i32
    %get3A = arith.index_cast %min3A_2 : i32 to index
    %get3A_3 = memref.load %arg1[%get3A] : memref<50xi32, #tpu.memory_space<smem>>
    %jit3A = arith.constant 8 : i32
    %div3A = arith.divsi %get3A_3, %jit3A : i32
    %sign3A = arith.constant 0 : i32
    %sign3A_4 = arith.cmpi sgt, %get3A_3, %sign3A : i32
    %sign3A_5 = arith.extui %sign3A_4 : i1 to i32
    %sign3A_6 = arith.constant 0 : i32
    %sign3A_7 = arith.cmpi slt, %get3A_3, %sign3A_6 : i32
    %sign3A_8 = arith.extui %sign3A_7 : i1 to i32
    %sign3A_9 = arith.subi %sign3A_5, %sign3A_8 : i32
    %sign3A_10 = arith.constant 0 : i32
    %sign3A_11 = arith.cmpi sgt, %jit3A, %sign3A_10 : i32
    %sign3A_12 = arith.extui %sign3A_11 : i1 to i32
    %sign3A_13 = arith.constant 0 : i32
    %sign3A_14 = arith.cmpi slt, %jit3A, %sign3A_13 : i32
    %sign3A_15 = arith.extui %sign3A_14 : i1 to i32
    %sign3A_16 = arith.subi %sign3A_12, %sign3A_15 : i32
    %ne3A = arith.cmpi ne, %sign3A_9, %sign3A_16 : i32
    %rem3A = arith.remsi %get3A_3, %jit3A : i32
    %ne3A_17 = arith.constant 0 : i32
    %ne3A_18 = arith.cmpi ne, %rem3A, %ne3A_17 : i32
    %and3A = arith.andi %ne3A, %ne3A_18 : i1
    %sub3A = arith.constant 1 : i32
    %sub3A_19 = arith.subi %div3A, %sub3A : i32
    %select_n3A = arith.select %and3A, %sub3A_19, %div3A : i32
    %c0_i32 = arith.constant 0 : i32
    %c0_i32_20 = arith.constant 0 : i32
    return %select_n3A, %c0_i32 : i32, i32
  }
  func.func @transform_8(%arg0: i32, %arg1: memref<50xi32, #tpu.memory_space<smem>>) -> i32 {
    %c0_i32 = arith.constant 0 : i32
    return %arg0 : i32
  }
}

</mosaic_0001>

<sc_bundles>
// kernel: kernel.4.cloned.1.call-start
scs
__scs_entry_jumppad:
0x0: {  	(pc) =	sbr.rel $0x88, $3  }
0x1: {  	(tag) =	ssettag $0x0;
	lr =	simm.s32 $0x1  }
0x2: {  	[smem:$0x3F9E] =	sst lr;
	_ =	strace $0xD0000000  }
0x3: {  	_ = 	snop  }
0x4: {  	_ = 	snop  }
0x5: {  	_ = 	snop  }
0x6: {  	_ = 	snop  }
0x7: {  	_ = 	snop  }
__scs_overlays_trampoline_lowered:
0x8: {  	[smem:$0x3FAD] =	sst s0  }
0x9: {  	[smem:$0x3FAE] =	sst s1  }
0xa: {  	[smem:$0x3FAF] =	sst s2  }
0xb: {  	[smem:$0x3FB0] =	sst s3  }
0xc: {  	[smem:$0x3FB1] =	sst s4  }
0xd: {  	[smem:$0x3FB2] =	sst s5  }
0xe: {  	[smem:$0x3FB3] =	sst s6  }
0xf: {  	[smem:$0x3FB4] =	sst s7  }
0x10: {  	[smem:$0x3FB5] =	sst s8  }
0x11: {  	[smem:$0x3FB6] =	sst s9;
	s0 =	simm.s32 @!p0 $0x0  }
0x12: {  	s1 =	sld [smem:$0x3F9C];
	s0 =	simm.s32 @p0 $0x1  }
0x13: {  	[smem:$0x3FB7] =	sst s0;
	s0 =	simm.s32 @!p1 $0x0  }
0x14: {  	s2 =	sld [smem:$0x3F9B];
	s0 =	simm.s32 @p1 $0x1  }
0x15: {  	[smem:$0x3FB8] =	sst s0;
	s0 =	simm.s32 @!p2 $0x0  }
0x16: {  	s3 =	sld [smem:$0x3FDB];
	s0 =	simm.s32 @p2 $0x1  }
0x17: {  	s4 =	simm.s32 $0x1BF5;
	[smem:$0x3FBA] =	sst s0  }
0x18: {  	s0 =	sld [smem:$0x3F9D];
	_ =	swait.ge [sflag:s4], $0x0  }
0x19: {  	s7 =	sld [smem:$0x3F9E]  }
0x1a: {  	s8 =	sadd.s32 $0xFFFFE003, lr  }
0x1b: {  	s9 =	sadd.s32 $0xFFFFFEF7, lr;
	s5 =	simm.s32 $0xFFFFFFFF;
	p2 =	slt.u32 s8, $0xFFFFF086  }
0x1c: {  	p1 =	slt.u32 s9, $0xF7A;
	s5 =	simm.s32 @!p2 $0x0  }
0x1d: {  	s5 =	simm.s32 @p1 $0x1;
	p0 =	seq.s32 s7, s2  }
0x1e: {  	s7 =	smul.u32 @!p0 $0xF7A, s2;
	p2 =	seq.s32 @!p0 s5, $0x0  }
0x1f: {  	s9 =	smul.u32 $0xF7A, s1;
	s8 =	simm.s32 @!p0 $0x1BF5;
	p2 =	por !p2, p0  }
0x20: {  	[sflag:s8] =	ssyncset.s32 @!p0 $0xFFFFF086;
	s6 =	sadd.s32 @!p0 s3, s7;
	s7 =	simm.s32 @!p0 $0x108  }
0x21: {  	s3 =	sadd.s32 s3, s9;
	s6 =	sadd.s32 @!p0 $0x88, s6;
	s7 =	simm.s32 @p2 $0x1082  }
0x22: {  	[simem:s7], [sflag:s8] =	dma.local @!p0 [hbm:s6], $0xF7A  }
0x23: {  	s9 =	sor.u32 $0xD0000000, s2;
	s6 =	simm.s32 $0x108;
	_ =	swait.ge @!p0 [sflag:s8], $0x0  }
0x24: {  	s3 =	sadd.s32 $0x88, s3;
	s6 =	simm.s32 @!p1 $0x1082;
	[sflag:s4] =	ssyncset.s32 $0xFFFFF086  }
0x25: {  	[simem:s6], [sflag:s4] =	dma.local [hbm:s3], $0xF7A  }
0x26: {  	[smem:$0x3F9E] =	sst s1;
	(tag) =	ssettag s2;
	_ =	strace s9  }
0x27: {  	s1 =	sld [smem:$0x3FAE]  }
0x28: {  	s2 =	sld [smem:$0x3FAF]  }
0x29: {  	s4 =	sld [smem:$0x3FB1]  }
0x2a: {  	p0 =	seq.s32 s5, $0x0;
	s5 =	sld [smem:$0x3FB2]  }
0x2b: {  	s6 =	sld [smem:$0x3FB3]  }
0x2c: {  	s7 =	sld [smem:$0x3FB4]  }
0x2d: {  	s3 =	simm.s32 $0x108;
	s8 =	sld [smem:$0x3FB5]  }
0x2e: {  	s3 =	simm.s32 @!p0 $0x1082;
	s9 =	sld [smem:$0x3FB6]  }
0x2f: {  	lr =	sadd.s32 s0, s3;
	s0 =	sld [smem:$0x3FAD]  }
0x30: {  	s3 =	sld [smem:$0x3FB0]  }
0x31: {  	[smem:$0x3FB9] =	sst s10  }
0x32: {  	s10 =	sld [smem:$0x3FB7];
	_ =	sdelay $0x3  }
0x33: {  	p0 =	seq.s32 s10, $0x1;
	s10 =	sld [smem:$0x3FB9];
	_ =	sdelay $0x3  }
0x34: {  	[smem:$0x3FB9] =	sst s10  }
0x35: {  	s10 =	sld [smem:$0x3FB8];
	_ =	sdelay $0x3  }
0x36: {  	p1 =	seq.s32 s10, $0x1;
	s10 =	sld [smem:$0x3FB9];
	_ =	sdelay $0x3  }
0x37: {  	[smem:$0x3FB9] =	sst s10  }
0x38: {  	s10 =	sld [smem:$0x3FBA]  }
0x39: {  	_ = 	snop;
	(pc) =	sbr.ind lr, $3  }
0x3a: {  	_ = 	snop  }
0x3b: {  	_ = 	snop  }
0x3c: {  	p2 =	seq.s32 s10, $0x1;
	s10 =	sld [smem:$0x3FB9]  }
0x3d: {  	_ =	shalt  }
0x3e: {  	_ =	shalt  }
0x3f: {  	_ =	shalt  }
0x40: {  	_ =	shalt  }
0x41: {  	_ =	shalt  }
0x42: {  	_ =	shalt  }
0x43: {  	_ =	shalt  }
0x44: {  	_ =	shalt  }
0x45: {  	_ =	shalt  }
0x46: {  	_ =	shalt  }
0x47: {  	_ =	shalt  }
0x48: {  	_ =	shalt  }
0x49: {  	_ =	shalt  }
0x4a: {  	_ =	shalt  }
0x4b: {  	_ =	shalt  }
0x4c: {  	_ =	shalt  }
0x4d: {  	_ =	shalt  }
0x4e: {  	_ =	shalt  }
0x4f: {  	_ =	shalt  }
0x50: {  	_ =	shalt  }
0x51: {  	_ =	shalt  }
0x52: {  	_ =	shalt  }
0x53: {  	_ =	shalt  }
0x54: {  	_ =	shalt  }
0x55: {  	_ =	shalt  }
0x56: {  	_ =	shalt  }
0x57: {  	_ =	shalt  }
0x58: {  	_ =	shalt  }
0x59: {  	_ =	shalt  }
0x5a: {  	_ =	shalt  }
0x5b: {  	_ =	shalt  }
0x5c: {  	_ =	shalt  }
0x5d: {  	_ =	shalt  }
0x5e: {  	_ =	shalt  }
0x5f: {  	_ =	shalt  }
0x60: {  	_ =	shalt  }
0x61: {  	_ =	shalt  }
0x62: {  	_ =	shalt  }
0x63: {  	_ =	shalt  }
0x64: {  	_ =	shalt  }
0x65: {  	_ =	shalt  }
0x66: {  	_ =	shalt  }
0x67: {  	_ =	shalt  }
0x68: {  	_ =	shalt  }
0x69: {  	_ =	shalt  }
0x6a: {  	_ =	shalt  }
0x6b: {  	_ =	shalt  }
0x6c: {  	_ =	shalt  }
0x6d: {  	_ =	shalt  }
0x6e: {  	_ =	shalt  }
0x6f: {  	_ =	shalt  }
0x70: {  	_ =	shalt  }
0x71: {  	_ =	shalt  }
0x72: {  	_ =	shalt  }
0x73: {  	_ =	shalt  }
0x74: {  	_ =	shalt  }
0x75: {  	_ =	shalt  }
0x76: {  	_ =	shalt  }
0x77: {  	_ =	shalt  }
0x78: {  	_ =	shalt  }
0x79: {  	_ =	shalt  }
0x7a: {  	_ =	shalt  }
0x7b: {  	_ =	shalt  }
0x7c: {  	_ =	shalt  }
0x7d: {  	_ =	shalt  }
0x7e: {  	_ =	shalt  }
0x7f: {  	_ =	shalt  }
0x80: {  	_ =	shalt  }
0x81: {  	_ =	shalt  }
0x82: {  	_ =	shalt  }
0x83: {  	_ =	shalt  }
0x84: {  	_ =	shalt  }
0x85: {  	_ =	shalt  }
0x86: {  	_ =	shalt  }
0x87: {  	_ =	shalt  }
.Lfunc_end0:
.L_simem_size_0:
called_computation_lowered:
.L_overlay_start_0:
0x88: {  	s2 =	sld [smem:$0x3FD9]  }
0x89: {  	s3 =	sld [smem:$0x3FFE];
	_ =	sdelay $0x1  }
0x8a: {  	s1 =	srdreg.scid  }
0x8b: {  	s0 =	sand.u32 $0x1, s1  }
0x8c: {  	s17 =	sshll.u32 s0, $0xA;
	s2 =	sadd.s32 s3, s2  }
0x8d: {  	s2 =	sadd.s32 s2, s17  }
0x8e: {  	[smem:$0x3FC5] =	sst s2  }
0x8f: {  	_ = 	snop  }
0x90: {  	s2 =	sld [smem:$0x3FC9];
	(tm) =	ssettm $0x1  }
0x91: {  	s18 =	sld [smem:$0x3FFB];
	_ =	sdelay $0x3  }
0x92: {  	_ =	strace s18  }
0x93: {  	s3 =	sld [smem:$0x3FFC];
	_ =	sdelay $0x3  }
0x94: {  	_ =	strace s3  }
0x95: {  	s3 =	sld [smem:$0x3FFD];
	_ =	sdelay $0x3  }
0x96: {  	_ =	strace s3  }
0x97: {  	_ =	strace $0x8FFFFFFF  }
0x98: {  	s19 =	sld [smem:$0x3FDB];
	_ =	sdelay $0x1  }
0x99: {  	s4 =	simm.s32 $_scs_section_size  }
0x9a: {  	s5 =	simm.s32 $_size__tile_overlayer_lowered;
	s6 =	simm.s32 $_tile_overlayer_lowered  }
0x9b: {  	s22 =	simm.s32 $0x1BFF;
	s21 =	sshll.u32 s6, $0x1;
	s3 =	sadd.s32 s4, s19  }
0x9c: {  	s7 =	simm.s32 $0x0;
	s20 =	sshll.u32 s5, $0x1;
	s5 =	sadd.s32 s21, s3  }
0x9d: {  	[timem:s7], [sflag:s22] =	dma.local [hbm:s5], s20  }
0x9e: {  	_ =	swait.ge [sflag:s22], s20  }
0x9f: {  	s4 =	ssub.s32 $0x0, s20;
	[sflag:s22] =	ssyncset.done $0x0  }
0xa0: {  	[sflag:s22] =	ssyncadd.s32 s4;
	_ =	sdelay $0x1  }
0xa1: {  	s23 =	simm.s32 $0x1B8B  }
0xa2: {  	_ =	swait.ge [sflag:s23], $0x1  }
0xa3: {  	[sflag:s23] =	ssyncset.done $0x0  }
0xa4: {  	s25 =	simm.s32 $0x1B8E;
	s24 =	sld [smem:$0x3FFE];
	[sflag:s23] =	ssyncadd.s32 $0xFFFFFFFF  }
0xa5: {  	s26 =	simm.s32 $execute0_lowered;
	[smem:$0x3FD2] =	sst s25  }
0xa6: {  	s5 =	sshll.u32 s26, $0x1;
	_ =	strace $0x80000046;
	[dreg:$0x1] =	wrdreg $0xFFFFFFFF  }
0xa7: {  	s28 =	simm.s32 $_size_execute0_lowered;
	s3 =	sadd.s32 s3, s5;
	[dreg:$0x0] =	wrdreg $0x0  }
0xa8: {  	s5 =	sshll.u32 s28, $0x1;
	[dreg:$0x2] =	wrdreg s3  }
0xa9: {  	[dreg:$0x3] =	wrdreg s5  }
0xaa: {  	[dreg:$0x4] =	wrdreg $0xC0  }
0xab: {  	_ =	task [dreg:s7], $0x5FFFF  }
0xac: {  	[dreg:$0x1] =	wrdreg $0xFFFFFFFF  }
0xad: {  	[dreg:$0x0] =	wrdreg $0x60  }
0xae: {  	[dreg:$0x2] =	wrdreg s2  }
0xaf: {  	[dreg:$0x3] =	wrdreg s24  }
0xb0: {  	[dreg:$0x4] =	wrdreg $0x9  }
0xb1: {  	_ =	task.clear_ibuf [dreg:s7], $0x5FFFF;
	_ =	strace $0x90000046  }
0xb2: {  	s29 =	simm.s32 $0x9;
	_ =	strace $0x80000048  }
0xb3: {  	_ =	swait.ge [sflag:s29], $0x1  }
0xb4: {  	[sflag:s29] =	ssyncadd.s32 $0xFFFFFFFF  }
0xb5: {  	_ =	strace $0x90000048  }
0xb6: {  	_ =	sfence  }
0xb7: {  	s30 =	sld [smem:$0x0];
	_ =	sdelay $0x2  }
0xb8: {  	s31 =	sshll.u32 s1, $0xD;
	s1 =	sshrl.u32 s1, $0x2  }
0xb9: {  	s3 =	sand.u32 $0x4000, s31;
	s1 =	sadd.s32 s1, s30  }
0xba: {  	s0 =	sor.u32 s3, s0;
	s1 =	sshll.u32 s1, $0x11  }
0xbb: {  	s0 =	sor.u32 s1, s0  }
0xbc: {  	s0 =	sadd.s32 $0x8F2B, s0  }
0xbd: {  	[sflag:s0] =	ssyncadd.remote.s32 $0x1  }
0xbe: {  	_ =	sfence.sel $0xFFFF  }
0xbf: {  	[dreg:$0x0] =	wrdreg $0xFFFFFFFF;
	(pc) =	sbr.abs _section_cstart, $3  }
0xc0: {  	[dreg:$0x1] =	wrdreg $0xFFFFFFFF  }
0xc1: {  	_ =	task.clear_ibuf [dreg:s7], $0x2FFFF;
	_ =	strace $0x9FFFFFFF  }
0xc2: {  	(tm) =	ssettm $0x7FFFFFFF  }
0xc3: {  	_ =	shalt  }
tec
execute0_lowered:
.L_overlay_start_1:
0x0: {  	(tag) =	ssettag $0x1  }
0x1: {  	s2 =	rddreg [dreg:$0x0]  }
0x2: {  	s5 =	rddreg [dreg:$0x1]  }
0x3: {  	s4 =	srdreg.scid;
	s0 =	stileid.u32  }
0x4: {  	s3 =	simm.s32 $0x0;
	s6 =	sand.u32 $0x1, s4;
	s30 =	sshll.u32 s0, $0x1  }
0x5: {  	s13 =	simm.s32 $0x368;
	s15 =	simm.s32 $0x500;
	s7 =	sor.u32 s6, s30  }
0x6: {  	s16 =	simm.s32 $0x2;
	[smem:$0x7FF] =	sst s3;
	s11 =	smul.u32 $0x2780, s7  }
0x7: {  	s4 =	sadd.s32 $0x800, s5;
	s8 =	sor.u32 $0x20, s7;
	s7 =	smul.u32 $0x19, s7  }
0x8: {  	s9 =	sadd.s32 $0x11E00, s5;
	s6 =	ssub.s32 $0x2, s6;
	s10 =	smul.u32 $0x19, s8  }
.Ltmp0:
0x9: {  	p0 =	sgt.u32 s0, $0x8;
	s31 =	sshrl.u32 s6, $0x1;
	(pc) =	sbr.rel .LBB2_1-.Ltmp0, $4  }
0xa: {  	_ =	strace $0x80000047;
	s12 =	ssub.s32 s6, s31;
	s14 =	smul.u32 $0x2780, s8  }
0xb: {  	s8 =	simm.s32 $0x3;
	s5 =	sadd.s32 s9, s7;
	s7 =	smax.u32 s12, $0x1  }
0xc: {  	v0 =	vmov s11;
	s11 =	simm.s32 $0x300;
	s12 =	simm.s32 $0x168;
	s6 =	sadd.s32 s9, s10  }
0xd: {  	vm0 =	vmmov $0xff;
	vm1 =	vmmov @!p0 $0xff;
	s9 =	simm.s32 $0x68;
	s10 =	simm.s32 $0x100;
	v1 =	vmov s14;
	s14 =	simm.s32 $0x1  }
.LBB2_3:
0xe: {  	s7 =	sadd.s32 $0xFFFFFFFF, s7  }
0xf: {  	p1 =	sne.s32 s7, $0x0  }
.Ltmp1:
0x10: {  	_ = 	snop;
	(pc) =	sbr.rel @!p1 .LBB2_4-.Ltmp1, $1  }
0x11: {  	_ =	sdelay $0x3  }
.LBB2_1:
0x12: {  	[tilespmem:s3], [sflag:$0x3] =	stream.linear.gather [hbm4b:s2+s3], $0xC8, $0x38;
	[tilespmem:$0x600] =	vst v63  }
0x13: {  	_ =	swait.ge [sflag:s8], $0xC8  }
0x14: {  	[sflag:s8] =	ssyncset.done $0x0  }
0x15: {  	[sflag:s8] =	ssyncadd.s32 $0xFFFFFF38  }
0x16: {  	v2 =	vld [tilespmem:$0x0]  }
0x17: {  	v3 =	vld [tilespmem:$0x10]  }
0x18: {  	v4 =	vld [tilespmem:$0x20]  }
0x19: {  	v5 =	vld [tilespmem:$0x30]  }
0x1a: {  	v6 =	vld [tilespmem:$0x40]  }
0x1b: {  	v7 =	vld [tilespmem:$0x50]  }
0x1c: {  	v8 =	vld [tilespmem:$0x60];
	v2 =	vadd.s32 v0, v2  }
0x1d: {  	v18 =	vld [tilespmem:$0x80];
	[tilespmem:$0x100] =	vst v2;
	v2 =	vadd.s32 v0, v3  }
0x1e: {  	v3 =	vld [tilespmem:$0x70];
	[tilespmem:$0x110] =	vst v2;
	v2 =	vadd.s32 v0, v4  }
0x1f: {  	v19 =	vld [tilespmem:$0x90];
	[tilespmem:$0x120] =	vst v2;
	v2 =	vadd.s32 v0, v5  }
0x20: {  	v20 =	vld [tilespmem:$0xA0];
	[tilespmem:$0x130] =	vst v2;
	v2 =	vadd.s32 v0, v6  }
0x21: {  	v21 =	vld [tilespmem:$0xB0];
	[tilespmem:$0x140] =	vst v2;
	v2 =	vadd.s32 v0, v7  }
0x22: {  	v22 =	vld [tilespmem:$0xC0];
	[tilespmem:$0x150] =	vst v2;
	v2 =	vadd.s32 v0, v8  }
0x23: {  	[tilespmem:$0x160] =	vst v2;
	v2 =	vadd.s32 v0, v3  }
0x24: {  	[tilespmem:$0x170] =	vst v2;
	v2 =	vadd.s32 v0, v18  }
0x25: {  	[tilespmem:$0x180] =	vst v2;
	v2 =	vadd.s32 v0, v19  }
0x26: {  	[tilespmem:$0x190] =	vst v2;
	v2 =	vadd.s32 v0, v20  }
0x27: {  	v3 =	vadd.s32 v0, v22;
	[tilespmem:$0x1A0] =	vst v2;
	v2 =	vadd.s32 v0, v21  }
0x28: {  	[tilespmem:$0x1B0] =	vst v2;
	v2 =	vsel vm0, v3, v0  }
0x29: {  	[tilespmem:$0x1C0] =	vst v2  }
0x2a: {  	[tilespmem:s11], [sflag:$0x1] =	stream.indirect.gather [hbm4b:s4+s9], $0x1, s10, s9, $0xb8;
	[tilespmem:$0x600] =	vst v63  }
0x2b: {  	_ = 	snop  }
0x2c: {  	[tilespmem:s13], [sflag:$0x1] =	stream.indirect.gather [hbm4b:s4+s9], $0x1, s12, s9, $0xb8;
	[tilespmem:$0x600] =	vst v63  }
0x2d: {  	v2 =	vld @!p0 [tilespmem:$0x0]  }
0x2e: {  	v3 =	vld @!p0 [tilespmem:$0x10]  }
0x2f: {  	v4 =	vld @!p0 [tilespmem:$0x20]  }
0x30: {  	v5 =	vld @!p0 [tilespmem:$0x30]  }
0x31: {  	v6 =	vld @!p0 [tilespmem:$0x40]  }
0x32: {  	v7 =	vld @!p0 [tilespmem:$0x50]  }
0x33: {  	v8 =	vld @!p0 [tilespmem:$0x60];
	v2 =	vadd.s32 @!p0 v1, v2  }
0x34: {  	[tilespmem:$0x1D0] =	vst @!p0 v2;
	v2 =	vadd.s32 @!p0 v1, v3;
	v3 =	vld @!p0 [tilespmem:$0x70]  }
0x35: {  	[tilespmem:$0x1E0] =	vst @!p0 v2;
	v2 =	vadd.s32 @!p0 v1, v4;
	v4 =	vld @!p0 [tilespmem:$0x80]  }
0x36: {  	[tilespmem:$0x1F0] =	vst @!p0 v2;
	v2 =	vadd.s32 @!p0 v1, v5;
	v5 =	vld @!p0 [tilespmem:$0x90]  }
0x37: {  	[tilespmem:$0x200] =	vst @!p0 v2;
	v2 =	vadd.s32 @!p0 v1, v6;
	v6 =	vld @!p0 [tilespmem:$0xA0]  }
0x38: {  	[tilespmem:$0x210] =	vst @!p0 v2;
	v2 =	vadd.s32 @!p0 v1, v7;
	v7 =	vld @!p0 [tilespmem:$0xB0]  }
0x39: {  	[tilespmem:$0x220] =	vst @!p0 v2;
	v2 =	vadd.s32 @!p0 v1, v8;
	v8 =	vld @!p0 [tilespmem:$0xC0]  }
0x3a: {  	[tilespmem:$0x230] =	vst @!p0 v2;
	v2 =	vadd.s32 @!p0 v1, v3  }
0x3b: {  	[tilespmem:$0x240] =	vst @!p0 v2;
	v2 =	vadd.s32 @!p0 v1, v4  }
0x3c: {  	[tilespmem:$0x250] =	vst @!p0 v2;
	v2 =	vadd.s32 @!p0 v1, v5  }
0x3d: {  	[tilespmem:$0x260] =	vst @!p0 v2;
	v2 =	vadd.s32 @!p0 v1, v6  }
0x3e: {  	[tilespmem:$0x270] =	vst @!p0 v2;
	v2 =	vadd.s32 @!p0 v1, v7;
	v3 =	vadd.s32 @!p0 v1, v8  }
0x3f: {  	[tilespmem:$0x280] =	vst @!p0 v2;
	v2 =	vsel @!p0 vm1, v3, v1  }
0x40: {  	s17 =	simm.s32 @!p0 $0x68;
	s18 =	simm.s32 @!p0 $0x1D0;
	s19 =	simm.s32 @!p0 $0x3D0;
	[tilespmem:$0x290] =	vst @!p0 v2  }
0x41: {  	[tilespmem:s19], [sflag:$0x2] =	stream.indirect.gather @!p0 [hbm4b:s4+s17], $0x1, s18, s17, $0xb8;
	[tilespmem:$0x600] =	vst v63  }
0x42: {  	s18 =	simm.s32 @!p0 $0x238;
	s19 =	simm.s32 @!p0 $0x438  }
0x43: {  	[tilespmem:s19], [sflag:$0x2] =	stream.indirect.gather @!p0 [hbm4b:s4+s17], $0x1, s18, s17, $0xb8;
	[tilespmem:$0x600] =	vst v63  }
0x44: {  	_ =	swait.ge [sflag:s14], $0x68  }
0x45: {  	[sflag:s14] =	ssyncset.done $0x0  }
0x46: {  	[sflag:s14] =	ssyncadd.s32 $0xFFFFFF98  }
0x47: {  	_ =	swait.ge [sflag:s14], $0x68  }
0x48: {  	[sflag:s14] =	ssyncset.done $0x0  }
0x49: {  	[sflag:s14] =	ssyncadd.s32 $0xFFFFFF98  }
0x4a: {  	v2 =	vld [tilespmem:$0x300]  }
0x4b: {  	v3 =	vld [tilespmem:$0x310]  }
0x4c: {  	v23 =	vld [tilespmem:$0x320]  }
0x4d: {  	v24 =	vld [tilespmem:$0x330]  }
0x4e: {  	v25 =	vld [tilespmem:$0x340]  }
0x4f: {  	(erf) = vrcp.f32 v2;
	v2 =	vld [tilespmem:$0x350]  }
0x50: {  	(erf) = vrcp.f32 v3;
	v3 =	vld [tilespmem:$0x360]  }
0x51: {  	v26 =	vld [tilespmem:$0x370];
	(erf) = vrcp.f32 v23  }
0x52: {  	v27 =	vld [tilespmem:$0x380];
	(erf) = vrcp.f32 v24  }
0x53: {  	v28 =	vld [tilespmem:$0x390];
	(erf) = vrcp.f32 v25  }
0x54: {  	(erf) = vrcp.f32 v2;
	v2 =	vld [tilespmem:$0x3A0]  }
0x55: {  	(erf) = vrcp.f32 v3;
	v3 =	vld [tilespmem:$0x3B0]  }
0x56: {  	v29 =	vld [tilespmem:$0x3C0];
	(erf) = vrcp.f32 v26  }
0x57: {  	(erf) = vrcp.f32 v27  }
0x58: {  	v30 =	vpop (erf);
	(erf) = vrcp.f32 v28  }
0x59: {  	v31 =	vpop (erf);
	(erf) = vrcp.f32 v2  }
0x5a: {  	v2 =	vpop (erf);
	(erf) = vrcp.f32 v3  }
0x5b: {  	v3 =	vmax.f32 v30, v31;
	v32 =	vpop (erf);
	(erf) = vrcp.f32 v29  }
0x5c: {  	v3 =	vmax.f32 v3, v2;
	v33 =	vpop (erf)  }
0x5d: {  	v3 =	vmax.f32 v3, v32;
	v34 =	vpop (erf)  }
0x5e: {  	v3 =	vmax.f32 v3, v33;
	v9 =	vpop (erf)  }
0x5f: {  	v3 =	vmax.f32 v3, v34;
	v10 =	vpop (erf)  }
0x60: {  	v3 =	vmax.f32 v3, v9;
	v11 =	vpop (erf)  }
0x61: {  	v3 =	vmax.f32 v3, v10;
	v12 =	vpop (erf)  }
0x62: {  	v3 =	vmax.f32 v3, v11;
	v13 =	vpop (erf)  }
0x63: {  	v3 =	vmax.f32 v3, v12;
	v14 =	vpop (erf)  }
0x64: {  	v3 =	vmax.f32 v3, v13;
	v15 =	vpop (erf)  }
0x65: {  	v3 =	vmax.f32 v3, v14;
	v15 =	vnsel vm0, $0xFF800000, v15  }
0x66: {  	v3 =	vmax.f32 v3, v15  }
0x67: {  	(v2sf) =	vpush v3, $0x0  }
0x68: {  	(v2sf) =	vpush v3, $0x1  }
0x69: {  	(v2sf) =	vpush v3, $0x2  }
0x6a: {  	(v2sf) =	vpush v3, $0x3  }
0x6b: {  	(v2sf) =	vpush v3, $0x4  }
0x6c: {  	(v2sf) =	vpush v3, $0x5  }
0x6d: {  	(v2sf) =	vpush v3, $0x6  }
0x6e: {  	(v2sf) =	vpush v3, $0x7  }
0x6f: {  	(v2sf) =	vpush v3, $0x8  }
0x70: {  	(v2sf) =	vpush v3, $0x9  }
0x71: {  	(v2sf) =	vpush v3, $0xA  }
0x72: {  	(v2sf) =	vpush v3, $0xB  }
0x73: {  	(v2sf) =	vpush v3, $0xC  }
0x74: {  	(v2sf) =	vpush v3, $0xD  }
0x75: {  	(v2sf) =	vpush v3, $0xE  }
0x76: {  	s30 =	spop (v2sf);
	(v2sf) =	vpush v3, $0xF  }
0x77: {  	s31 =	spop (v2sf)  }
0x78: {  	s0 =	spop (v2sf)  }
0x79: {  	s20 =	spop (v2sf)  }
0x7a: {  	s21 =	spop (v2sf)  }
0x7b: {  	s22 =	spop (v2sf)  }
0x7c: {  	s23 =	spop (v2sf)  }
0x7d: {  	s24 =	spop (v2sf)  }
0x7e: {  	s17 =	smax.f32 s30, s31;
	s25 =	spop (v2sf)  }
0x7f: {  	s19 =	smax.f32 s0, s20;
	s26 =	spop (v2sf)  }
0x80: {  	s17 =	smax.f32 s17, s19;
	s1 =	spop (v2sf)  }
0x81: {  	s21 =	smax.f32 s21, s22;
	s28 =	spop (v2sf)  }
0x82: {  	s23 =	smax.f32 s23, s24;
	s29 =	spop (v2sf)  }
0x83: {  	s25 =	smax.f32 s25, s26;
	s30 =	spop (v2sf)  }
0x84: {  	s18 =	smax.f32 s1, s28;
	s31 =	spop (v2sf)  }
0x85: {  	s1 =	smax.f32 s21, s23;
	s0 =	spop (v2sf)  }
0x86: {  	s22 =	smax.f32 s29, s30;
	s20 =	smax.f32 s31, s0  }
0x87: {  	s18 =	smax.f32 s25, s18;
	s20 =	smax.f32 s22, s20  }
0x88: {  	s17 =	smax.f32 s17, s1;
	s18 =	smax.f32 s18, s20  }
0x89: {  	s17 =	smax.f32 s17, s18  }
0x8a: {  	v3 =	vmov s17  }
0x8b: {  	v5 =	vsub.f32 v30, v3;
	_ =	sdelay $0x1  }
0x8c: {  	v6 =	vsub.f32 v31, v3;
	v5 =	vmul.f32 $1.442695020e+00, v5  }
0x8d: {  	v2 =	vsub.f32 v2, v3  }
0x8e: {  	v6 =	vmul.f32 $1.442695020e+00, v6;
	(erf) = vpow2.f32 v5  }
0x8f: {  	v35 =	vsub.f32 v32, v3;
	v2 =	vmul.f32 $1.442695020e+00, v2  }
0x90: {  	(erf) = vpow2.f32 v6  }
0x91: {  	v4 =	vsub.f32 v33, v3;
	(erf) = vpow2.f32 v2;
	v2 =	vmul.f32 $1.442695020e+00, v35;
	_ =	sdelay $0x1  }
0x92: {  	v36 =	vsub.f32 v34, v3;
	(erf) = vpow2.f32 v2;
	v2 =	vmul.f32 $1.442695020e+00, v4;
	_ =	sdelay $0x1  }
0x93: {  	(erf) = vpow2.f32 v2;
	v2 =	vmul.f32 $1.442695020e+00, v36  }
0x94: {  	v37 =	vsub.f32 v9, v3  }
0x95: {  	v38 =	vpop (erf);
	(erf) = vpow2.f32 v2  }
0x96: {  	v39 =	vsub.f32 v10, v3;
	v4 =	vmul.f32 $1.442695020e+00, v37  }
0x97: {  	v43 =	vsub.f32 v11, v3;
	v2 =	vpop (erf)  }
0x98: {  	v42 =	vmul.f32 $1.442695020e+00, v39;
	(erf) = vpow2.f32 v4;
	v40 =	vadd.f32 v2, v38  }
0x99: {  	v46 =	vsub.f32 v12, v3;
	v41 =	vpop (erf)  }
0x9a: {  	v45 =	vmul.f32 $1.442695020e+00, v43;
	(erf) = vpow2.f32 v42;
	v7 =	vadd.f32 v40, v41  }
0x9b: {  	v49 =	vsub.f32 v13, v3;
	v44 =	vpop (erf)  }
0x9c: {  	v48 =	vmul.f32 $1.442695020e+00, v46;
	(erf) = vpow2.f32 v45;
	v7 =	vadd.f32 v7, v44  }
0x9d: {  	v52 =	vsub.f32 v14, v3;
	v47 =	vpop (erf)  }
0x9e: {  	v51 =	vmul.f32 $1.442695020e+00, v49;
	v7 =	vadd.f32 v7, v47;
	v50 =	vpop (erf);
	(erf) = vpow2.f32 v48  }
0x9f: {  	v3 =	vsub.f32 v15, v3  }
0xa0: {  	v53 =	vmul.f32 $1.442695020e+00, v52;
	v7 =	vadd.f32 v7, v50;
	(erf) = vpow2.f32 v51  }
0xa1: {  	v3 =	vmul.f32 $1.442695020e+00, v3;
	v54 =	vpop (erf)  }
0xa2: {  	(erf) = vpow2.f32 v53;
	v7 =	vadd.f32 v7, v54  }
0xa3: {  	v55 =	vpop (erf)  }
0xa4: {  	(erf) = vpow2.f32 v3;
	v7 =	vadd.f32 v7, v55  }
0xa5: {  	v3 =	vpop (erf)  }
0xa6: {  	v7 =	vadd.f32 v7, v3  }
0xa7: {  	v56 =	vpop (erf)  }
0xa8: {  	v7 =	vadd.f32 v7, v56  }
0xa9: {  	v57 =	vpop (erf)  }
0xaa: {  	v7 =	vadd.f32 v7, v57  }
0xab: {  	v58 =	vpop (erf)  }
0xac: {  	v7 =	vadd.f32 v7, v58  }
0xad: {  	v59 =	vpop (erf)  }
0xae: {  	v7 =	vadd.f32 v7, v59;
	_ =	sdelay $0x1  }
0xaf: {  	(v2sf) =	vpush v7, $0x0  }
0xb0: {  	(v2sf) =	vpush v7, $0x1  }
0xb1: {  	(v2sf) =	vpush v7, $0x2  }
0xb2: {  	(v2sf) =	vpush v7, $0x3  }
0xb3: {  	(v2sf) =	vpush v7, $0x4  }
0xb4: {  	(v2sf) =	vpush v7, $0x5  }
0xb5: {  	(v2sf) =	vpush v7, $0x6  }
0xb6: {  	(v2sf) =	vpush v7, $0x7  }
0xb7: {  	(v2sf) =	vpush v7, $0x8  }
0xb8: {  	(v2sf) =	vpush v7, $0x9  }
0xb9: {  	(v2sf) =	vpush v7, $0xA  }
0xba: {  	(v2sf) =	vpush v7, $0xB  }
0xbb: {  	(v2sf) =	vpush v7, $0xC  }
0xbc: {  	(v2sf) =	vpush v7, $0xD  }
0xbd: {  	(v2sf) =	vpush v7, $0xE  }
0xbe: {  	s20 =	spop (v2sf);
	(v2sf) =	vpush v7, $0xF  }
0xbf: {  	s21 =	spop (v2sf)  }
0xc0: {  	s22 =	spop (v2sf)  }
0xc1: {  	s23 =	spop (v2sf)  }
0xc2: {  	s24 =	spop (v2sf)  }
0xc3: {  	s25 =	spop (v2sf)  }
0xc4: {  	s26 =	spop (v2sf)  }
0xc5: {  	s17 =	sadd.f32 s21, s20;
	s28 =	spop (v2sf)  }
0xc6: {  	s19 =	sadd.f32 s23, s22;
	s29 =	spop (v2sf)  }
0xc7: {  	s21 =	sadd.f32 s25, s24;
	s30 =	spop (v2sf)  }
0xc8: {  	s17 =	sadd.f32 s19, s17;
	s31 =	spop (v2sf)  }
0xc9: {  	s23 =	sadd.f32 s28, s26;
	s0 =	spop (v2sf)  }
0xca: {  	s18 =	sadd.f32 s30, s29;
	s1 =	spop (v2sf)  }
0xcb: {  	s30 =	sadd.f32 s23, s21;
	s26 =	spop (v2sf)  }
0xcc: {  	s20 =	sadd.f32 s0, s31;
	s28 =	spop (v2sf)  }
0xcd: {  	s24 =	sadd.f32 s26, s1;
	s29 =	spop (v2sf)  }
0xce: {  	s22 =	sadd.f32 s29, s28  }
0xcf: {  	s18 =	sadd.f32 s20, s18  }
0xd0: {  	s31 =	sadd.f32 s22, s24  }
0xd1: {  	s17 =	sadd.f32 s30, s17  }
0xd2: {  	s18 =	sadd.f32 s31, s18;
	_ =	sdelay $0x1  }
0xd3: {  	s17 =	sadd.f32 s18, s17;
	_ =	sdelay $0x1  }
0xd4: {  	v60 =	vmov s17  }
0xd5: {  	(erf) = vrcp.f32 v60;
	_ =	sdelay $0x8  }
0xd6: {  	v7 =	vpop (erf)  }
0xd7: {  	v5 =	vmul.f32 v7, v38  }
0xd8: {  	v2 =	vmul.f32 v7, v2  }
0xd9: {  	v61 =	vmul.f32 v7, v41;
	[tilespmem:$0x500] =	vst v5  }
0xda: {  	v62 =	vmul.f32 v7, v47;
	[tilespmem:$0x510] =	vst v2  }
0xdb: {  	v2 =	vmul.f32 v7, v44;
	[tilespmem:$0x520] =	vst v61  }
0xdc: {  	v63 =	vmul.f32 v7, v54;
	[tilespmem:$0x540] =	vst v62  }
0xdd: {  	[tilespmem:$0x530] =	vst v2;
	v2 =	vmul.f32 v7, v50  }
0xde: {  	v3 =	vmul.f32 v7, v3;
	[tilespmem:$0x560] =	vst v63  }
0xdf: {  	[tilespmem:$0x550] =	vst v2;
	v2 =	vmul.f32 v7, v55  }
0xe0: {  	[tilespmem:$0x580] =	vst v3;
	v3 =	vmul.f32 v7, v57  }
0xe1: {  	[tilespmem:$0x570] =	vst v2;
	v2 =	vmul.f32 v7, v56  }
0xe2: {  	[tilespmem:$0x5A0] =	vst v3;
	v3 =	vmul.f32 v7, v59  }
0xe3: {  	[tilespmem:$0x590] =	vst v2;
	v2 =	vmul.f32 v7, v58  }
0xe4: {  	[tilespmem:$0x5C0] =	vst v3  }
.Ltmp2:
0xe5: {  	[tilespmem:$0x5B0] =	vst v2;
	(pc) =	sbr.rel @p0 .LBB2_3-.Ltmp2, $4  }
0xe6: {  	[hbm4b:s5+s3] =	stream.linear.scatter [tilespmem:s15], [sflag:$0x3], $0xC8, $0x38;
	[tilespmem:$0x600] =	vst v63  }
0xe7: {  	_ =	swait.ge [sflag:s8], $0xC8  }
0xe8: {  	[sflag:s8] =	ssyncset.done $0x0  }
0xe9: {  	[sflag:s8] =	ssyncadd.s32 $0xFFFFFF38  }
0xea: {  	_ =	swait.ge [sflag:s16], $0x68  }
0xeb: {  	[sflag:s16] =	ssyncset.done $0x0  }
0xec: {  	[sflag:s16] =	ssyncadd.s32 $0xFFFFFF98  }
0xed: {  	_ =	swait.ge [sflag:s16], $0x68  }
0xee: {  	[sflag:s16] =	ssyncset.done $0x0  }
0xef: {  	[sflag:s16] =	ssyncadd.s32 $0xFFFFFF98  }
0xf0: {  	v2 =	vld [tilespmem:$0x3D0]  }
0xf1: {  	v3 =	vld [tilespmem:$0x3E0]  }
0xf2: {  	v4 =	vld [tilespmem:$0x3F0]  }
0xf3: {  	v5 =	vld [tilespmem:$0x400]  }
0xf4: {  	v6 =	vld [tilespmem:$0x410]  }
0xf5: {  	(erf) = vrcp.f32 v2;
	v2 =	vld [tilespmem:$0x420]  }
0xf6: {  	(erf) = vrcp.f32 v3;
	v3 =	vld [tilespmem:$0x430]  }
0xf7: {  	v28 =	vld [tilespmem:$0x440];
	(erf) = vrcp.f32 v4  }
0xf8: {  	v29 =	vld [tilespmem:$0x450];
	(erf) = vrcp.f32 v5  }
0xf9: {  	v30 =	vld [tilespmem:$0x460];
	(erf) = vrcp.f32 v6  }
0xfa: {  	(erf) = vrcp.f32 v2;
	v2 =	vld [tilespmem:$0x470]  }
0xfb: {  	(erf) = vrcp.f32 v3;
	v3 =	vld [tilespmem:$0x480]  }
0xfc: {  	v31 =	vld [tilespmem:$0x490];
	(erf) = vrcp.f32 v28  }
0xfd: {  	(erf) = vrcp.f32 v29  }
0xfe: {  	v32 =	vpop (erf);
	(erf) = vrcp.f32 v30  }
0xff: {  	v33 =	vpop (erf);
	(erf) = vrcp.f32 v2  }
0x100: {  	v2 =	vpop (erf);
	(erf) = vrcp.f32 v3  }
0x101: {  	v3 =	vmax.f32 v32, v33;
	v7 =	vpop (erf);
	(erf) = vrcp.f32 v31  }
0x102: {  	v3 =	vmax.f32 v3, v2;
	v34 =	vpop (erf)  }
0x103: {  	v3 =	vmax.f32 v3, v7;
	v8 =	vpop (erf)  }
0x104: {  	v3 =	vmax.f32 v3, v34;
	v9 =	vpop (erf)  }
0x105: {  	v3 =	vmax.f32 v3, v8;
	v10 =	vpop (erf)  }
0x106: {  	v3 =	vmax.f32 v3, v9;
	v11 =	vpop (erf)  }
0x107: {  	v3 =	vmax.f32 v3, v10;
	v12 =	vpop (erf)  }
0x108: {  	v3 =	vmax.f32 v3, v11;
	v13 =	vpop (erf)  }
0x109: {  	v3 =	vmax.f32 v3, v12;
	v14 =	vpop (erf)  }
0x10a: {  	v3 =	vmax.f32 v3, v13;
	v15 =	vpop (erf)  }
0x10b: {  	v3 =	vmax.f32 v3, v14;
	v15 =	vnsel vm0, $0xFF800000, v15  }
0x10c: {  	v3 =	vmax.f32 v3, v15  }
0x10d: {  	(v2sf) =	vpush v3, $0x0  }
0x10e: {  	(v2sf) =	vpush v3, $0x1  }
0x10f: {  	(v2sf) =	vpush v3, $0x2  }
0x110: {  	(v2sf) =	vpush v3, $0x3  }
0x111: {  	(v2sf) =	vpush v3, $0x4  }
0x112: {  	(v2sf) =	vpush v3, $0x5  }
0x113: {  	(v2sf) =	vpush v3, $0x6  }
0x114: {  	(v2sf) =	vpush v3, $0x7  }
0x115: {  	(v2sf) =	vpush v3, $0x8  }
0x116: {  	(v2sf) =	vpush v3, $0x9  }
0x117: {  	(v2sf) =	vpush v3, $0xA  }
0x118: {  	(v2sf) =	vpush v3, $0xB  }
0x119: {  	(v2sf) =	vpush v3, $0xC  }
0x11a: {  	(v2sf) =	vpush v3, $0xD  }
0x11b: {  	(v2sf) =	vpush v3, $0xE  }
0x11c: {  	s17 =	spop (v2sf);
	(v2sf) =	vpush v3, $0xF  }
0x11d: {  	s18 =	spop (v2sf)  }
0x11e: {  	s19 =	spop (v2sf)  }
0x11f: {  	s20 =	spop (v2sf)  }
0x120: {  	s21 =	spop (v2sf)  }
0x121: {  	s22 =	spop (v2sf)  }
0x122: {  	s23 =	spop (v2sf)  }
0x123: {  	s24 =	spop (v2sf)  }
0x124: {  	s17 =	smax.f32 s17, s18;
	s25 =	spop (v2sf)  }
0x125: {  	s20 =	smax.f32 s19, s20;
	s26 =	spop (v2sf)  }
0x126: {  	s22 =	smax.f32 s21, s22;
	s28 =	spop (v2sf)  }
0x127: {  	s24 =	smax.f32 s23, s24;
	s29 =	spop (v2sf)  }
0x128: {  	s25 =	smax.f32 s25, s26;
	s30 =	spop (v2sf)  }
0x129: {  	s26 =	smax.f32 s28, s29;
	s31 =	spop (v2sf)  }
0x12a: {  	s29 =	smax.f32 s17, s20;
	s0 =	spop (v2sf)  }
0x12b: {  	s28 =	smax.f32 s30, s31;
	s1 =	spop (v2sf)  }
0x12c: {  	s30 =	smax.f32 s22, s24;
	s0 =	smax.f32 s0, s1  }
0x12d: {  	s31 =	smax.f32 s25, s26;
	s0 =	smax.f32 s28, s0  }
0x12e: {  	s1 =	smax.f32 s29, s30;
	s0 =	smax.f32 s31, s0  }
0x12f: {  	s0 =	smax.f32 s1, s0  }
0x130: {  	v3 =	vmov s0  }
0x131: {  	v5 =	vsub.f32 v32, v3;
	_ =	sdelay $0x1  }
0x132: {  	v6 =	vsub.f32 v33, v3;
	v5 =	vmul.f32 $1.442695020e+00, v5  }
0x133: {  	v2 =	vsub.f32 v2, v3  }
0x134: {  	v6 =	vmul.f32 $1.442695020e+00, v6;
	(erf) = vpow2.f32 v5  }
0x135: {  	v35 =	vsub.f32 v7, v3;
	v2 =	vmul.f32 $1.442695020e+00, v2  }
0x136: {  	(erf) = vpow2.f32 v6  }
0x137: {  	v4 =	vsub.f32 v34, v3;
	(erf) = vpow2.f32 v2;
	v2 =	vmul.f32 $1.442695020e+00, v35;
	_ =	sdelay $0x1  }
0x138: {  	v36 =	vsub.f32 v8, v3;
	(erf) = vpow2.f32 v2;
	v2 =	vmul.f32 $1.442695020e+00, v4;
	_ =	sdelay $0x1  }
0x139: {  	(erf) = vpow2.f32 v2;
	v2 =	vmul.f32 $1.442695020e+00, v36  }
0x13a: {  	v37 =	vsub.f32 v9, v3  }
0x13b: {  	v38 =	vpop (erf);
	(erf) = vpow2.f32 v2  }
0x13c: {  	v39 =	vsub.f32 v10, v3;
	v4 =	vmul.f32 $1.442695020e+00, v37  }
0x13d: {  	v43 =	vsub.f32 v11, v3;
	v2 =	vpop (erf)  }
0x13e: {  	v42 =	vmul.f32 $1.442695020e+00, v39;
	(erf) = vpow2.f32 v4;
	v40 =	vadd.f32 v2, v38  }
0x13f: {  	v46 =	vsub.f32 v12, v3;
	v41 =	vpop (erf)  }
0x140: {  	v45 =	vmul.f32 $1.442695020e+00, v43;
	(erf) = vpow2.f32 v42;
	v7 =	vadd.f32 v40, v41  }
0x141: {  	v49 =	vsub.f32 v13, v3;
	v44 =	vpop (erf)  }
0x142: {  	v48 =	vmul.f32 $1.442695020e+00, v46;
	(erf) = vpow2.f32 v45;
	v7 =	vadd.f32 v7, v44  }
0x143: {  	v52 =	vsub.f32 v14, v3;
	v47 =	vpop (erf)  }
0x144: {  	v51 =	vmul.f32 $1.442695020e+00, v49;
	v7 =	vadd.f32 v7, v47;
	v50 =	vpop (erf);
	(erf) = vpow2.f32 v48  }
0x145: {  	v3 =	vsub.f32 v15, v3  }
0x146: {  	v53 =	vmul.f32 $1.442695020e+00, v52;
	v7 =	vadd.f32 v7, v50;
	(erf) = vpow2.f32 v51  }
0x147: {  	v3 =	vmul.f32 $1.442695020e+00, v3;
	v54 =	vpop (erf)  }
0x148: {  	(erf) = vpow2.f32 v53;
	v7 =	vadd.f32 v7, v54  }
0x149: {  	v55 =	vpop (erf)  }
0x14a: {  	(erf) = vpow2.f32 v3;
	v7 =	vadd.f32 v7, v55  }
0x14b: {  	v3 =	vpop (erf)  }
0x14c: {  	v7 =	vadd.f32 v7, v3  }
0x14d: {  	v56 =	vpop (erf)  }
0x14e: {  	v7 =	vadd.f32 v7, v56  }
0x14f: {  	v57 =	vpop (erf)  }
0x150: {  	v7 =	vadd.f32 v7, v57  }
0x151: {  	v58 =	vpop (erf)  }
0x152: {  	v7 =	vadd.f32 v7, v58  }
0x153: {  	v59 =	vpop (erf)  }
0x154: {  	v7 =	vadd.f32 v7, v59;
	_ =	sdelay $0x1  }
0x155: {  	(v2sf) =	vpush v7, $0x0  }
0x156: {  	(v2sf) =	vpush v7, $0x1  }
0x157: {  	(v2sf) =	vpush v7, $0x2  }
0x158: {  	(v2sf) =	vpush v7, $0x3  }
0x159: {  	(v2sf) =	vpush v7, $0x4  }
0x15a: {  	(v2sf) =	vpush v7, $0x5  }
0x15b: {  	(v2sf) =	vpush v7, $0x6  }
0x15c: {  	(v2sf) =	vpush v7, $0x7  }
0x15d: {  	(v2sf) =	vpush v7, $0x8  }
0x15e: {  	(v2sf) =	vpush v7, $0x9  }
0x15f: {  	(v2sf) =	vpush v7, $0xA  }
0x160: {  	(v2sf) =	vpush v7, $0xB  }
0x161: {  	(v2sf) =	vpush v7, $0xC  }
0x162: {  	(v2sf) =	vpush v7, $0xD  }
0x163: {  	(v2sf) =	vpush v7, $0xE  }
0x164: {  	s18 =	spop (v2sf);
	(v2sf) =	vpush v7, $0xF  }
0x165: {  	s19 =	spop (v2sf)  }
0x166: {  	s20 =	spop (v2sf)  }
0x167: {  	s21 =	spop (v2sf)  }
0x168: {  	s22 =	spop (v2sf)  }
0x169: {  	s23 =	spop (v2sf)  }
0x16a: {  	s24 =	spop (v2sf)  }
0x16b: {  	s0 =	sadd.f32 s19, s18;
	s28 =	spop (v2sf)  }
0x16c: {  	s17 =	sadd.f32 s21, s20;
	s29 =	spop (v2sf)  }
0x16d: {  	s19 =	sadd.f32 s23, s22;
	s30 =	spop (v2sf)  }
0x16e: {  	s0 =	sadd.f32 s17, s0;
	s31 =	spop (v2sf)  }
0x16f: {  	s21 =	sadd.f32 s28, s24;
	s25 =	spop (v2sf)  }
0x170: {  	s23 =	sadd.f32 s30, s29;
	s26 =	spop (v2sf)  }
0x171: {  	s1 =	sadd.f32 s25, s31;
	s28 =	spop (v2sf)  }
0x172: {  	s31 =	sadd.f32 s21, s19;
	s29 =	spop (v2sf)  }
0x173: {  	s20 =	sadd.f32 s28, s26;
	s30 =	spop (v2sf)  }
0x174: {  	s18 =	sadd.f32 s30, s29  }
0x175: {  	s1 =	sadd.f32 s1, s23  }
0x176: {  	s18 =	sadd.f32 s18, s20  }
0x177: {  	s0 =	sadd.f32 s31, s0  }
0x178: {  	s1 =	sadd.f32 s18, s1;
	_ =	sdelay $0x1  }
0x179: {  	s0 =	sadd.f32 s1, s0;
	_ =	sdelay $0x1  }
0x17a: {  	v60 =	vmov s0  }
0x17b: {  	(erf) = vrcp.f32 v60;
	_ =	sdelay $0x8  }
0x17c: {  	v7 =	vpop (erf)  }
0x17d: {  	v5 =	vmul.f32 v7, v38  }
0x17e: {  	v2 =	vmul.f32 v7, v2  }
0x17f: {  	v61 =	vmul.f32 v7, v41;
	[tilespmem:$0x500] =	vst v5  }
0x180: {  	v62 =	vmul.f32 v7, v47;
	[tilespmem:$0x510] =	vst v2  }
0x181: {  	v2 =	vmul.f32 v7, v44;
	[tilespmem:$0x520] =	vst v61  }
0x182: {  	v63 =	vmul.f32 v7, v54;
	[tilespmem:$0x540] =	vst v62  }
0x183: {  	[tilespmem:$0x530] =	vst v2;
	v2 =	vmul.f32 v7, v50  }
0x184: {  	v3 =	vmul.f32 v7, v3;
	[tilespmem:$0x560] =	vst v63  }
0x185: {  	[tilespmem:$0x550] =	vst v2;
	v2 =	vmul.f32 v7, v55  }
0x186: {  	[tilespmem:$0x580] =	vst v3;
	v3 =	vmul.f32 v7, v57  }
0x187: {  	[tilespmem:$0x570] =	vst v2;
	v2 =	vmul.f32 v7, v56  }
0x188: {  	[tilespmem:$0x5A0] =	vst v3;
	v3 =	vmul.f32 v7, v59  }
0x189: {  	[tilespmem:$0x590] =	vst v2;
	v2 =	vmul.f32 v7, v58  }
0x18a: {  	[tilespmem:$0x5C0] =	vst v3  }
.Ltmp3:
0x18b: {  	[tilespmem:$0x5B0] =	vst v2;
	(pc) =	sbr.rel .LBB2_3-.Ltmp3, $4  }
0x18c: {  	[hbm4b:s6+s3] =	stream.linear.scatter [tilespmem:s15], [sflag:$0x3], $0xC8, $0x38;
	[tilespmem:$0x600] =	vst v63  }
0x18d: {  	_ =	swait.ge [sflag:s8], $0xC8  }
0x18e: {  	[sflag:s8] =	ssyncset.done $0x0  }
0x18f: {  	[sflag:s8] =	ssyncadd.s32 $0xFFFFFF38  }
.LBB2_4:
0x190: {  	_ =	sfence.sel $0x180000  }
0x191: {  	[bflag:$0x0] =	sbarrier.arrive $0xFFFF  }
0x192: {  	_ =	strace $0x90000047  }
0x193: {  	s0 =	stileid.u32;
	[bflag:$0x2] =	sbarrier.arrive $0xFFFF  }
0x194: {  	p0 =	sne.s32 s0, $0x0;
	s0 =	rddreg [dreg:$0x2]  }
0x195: {  	s0 =	sadd.s32 @!p0 $0x100000, s0  }
0x196: {  	[sflag:s0] =	ssyncadd.tile.s32 @!p0 $0x1;
	_ =	shalt  }
.Lfunc_end2:
_tile_overlayer_lowered:
.L_overlay_start_2:
0x197: {  	(tag) =	ssettag $0x2  }
0x198: {  	s0 =	rddreg [dreg:$0x0];
	s2 =	stileid.u32  }
0x199: {  	s1 =	rddreg [dreg:$0x1];
	p0 =	sne.s32 s2, $0x0  }
0x19a: {  	s3 =	rddreg [dreg:$0x2];
	[bflag:$0x3] =	sbarrier.arrive $0xFFFF;
	s2 =	simm.s32 @!p0 $0x1C03  }
0x19b: {  	[timem:s3], [sflag:s2] =	dma.local @!p0 [hbm:s0], s1  }
0x19c: {  	s0 =	simm.s32 @!p0 $0x3  }
0x19d: {  	_ =	swait.ge @!p0 [sflag:s0], s1  }
0x19e: {  	s1 =	ssub.s32 @!p0 $0x0, s1;
	[sflag:s0] =	ssyncset.done @!p0 $0x0  }
0x19f: {  	[sflag:s0] =	ssyncadd.s32 @!p0 s1  }
0x1a0: {  	[bflag:$0x3] =	sbarrier.arrive $0xFFFF  }
0x1a1: {  	_ =	shalt  }

</sc_bundles>
